<compile_context>
chip_gen: v7x
topology: tpu7x:2x2x1
jax: 0.10.2.dev20260603
libtpu: 0.0.44.dev20260713+nightly
codegen_flags: <defaults>
</compile_context>

<pallas_src>
import functools

import jax
import jax.numpy as jnp
from jax import lax
from jax.experimental import pallas as pl
from jax.experimental.pallas import tpu as pltpu
from jax.experimental.pallas import tpu_sc as plsc

_R = 64
_T = 1024
_D = 128
_L = 64
_K = 256

_NC = 2
_NS = 16
_NW = _NC * _NS
_B = _R * _K
_BPW = _B // _NW
_CHUNK = 128
_NCHUNK = _BPW // _CHUNK
_RPS = 4


def _norm_col(x):
    sq = jnp.transpose(x * x)
    return jnp.transpose(jnp.sqrt(jnp.sum(sq, axis=0, keepdims=True)))


def _topk_idx_body(te_ref, roi_ref, idx_ref):
    te = te_ref[...]
    tn = te / (_norm_col(te) + 1e-8)
    tn_bf = tn.astype(jnp.bfloat16)
    step = pl.program_id(0)
    for h in range(_RPS):
        roi = roi_ref[pl.ds(h * _T, _T), :]
        rn = roi / (_norm_col(roi) + 1e-8)
        s = lax.dot_general(rn.astype(jnp.bfloat16), tn_bf,
                            (((1,), (1,)), ((), ())),
                            preferred_element_type=jnp.float32)
        sim = jnp.max(s, axis=-1)

        a = jnp.broadcast_to(sim[:, None], (_T, _T))
        b = jnp.broadcast_to(sim[None, :], (_T, _T))
        it = lax.broadcasted_iota(jnp.int32, (_T, _T), 0)
        jt = lax.broadcasted_iota(jnp.int32, (_T, _T), 1)
        beats = (a > b) | ((a == b) & (it < jt))
        rank = jnp.sum(beats.astype(jnp.int32), axis=0)

        kio = lax.broadcasted_iota(jnp.int32, (_K, _T), 0)
        p = (jnp.broadcast_to(rank[None, :], (_K, _T)) == kio)
        p = p.astype(jnp.float32).astype(jnp.bfloat16)
        ji = lax.broadcasted_iota(jnp.int32, (1, _T), 1)
        jhi = (ji >> 8).astype(jnp.float32)
        jlo = (ji & 255).astype(jnp.float32)
        dlo = lax.dot_general(jlo.astype(jnp.bfloat16), p,
                              (((1,), (1,)), ((), ())),
                              preferred_element_type=jnp.float32)
        dhi = lax.dot_general(jhi.astype(jnp.bfloat16), p,
                              (((1,), (1,)), ((), ())),
                              preferred_element_type=jnp.float32)
        r = step * _RPS + h
        gidx = dlo + dhi * 256.0 + jnp.float32(_T) * r.astype(jnp.float32)
        idx_ref[h] = gidx.astype(jnp.int32).reshape(2, _CHUNK)


def _topk_indices(image_hidden_states, input_embeds):
    idx = pl.pallas_call(
        _topk_idx_body,
        grid=(_R // _RPS,),
        in_specs=[
            pl.BlockSpec((_L, _D), lambda i: (0, 0)),
            pl.BlockSpec((_RPS * _T, _D), lambda i: (i, 0)),
        ],
        out_specs=pl.BlockSpec((_RPS, 2, _CHUNK), lambda i: (i, 0, 0)),
        out_shape=jax.ShapeDtypeStruct((_R, 2, _CHUNK), jnp.int32),
    )(input_embeds, image_hidden_states)
    return idx


@functools.partial(
    pl.kernel,
    mesh=plsc.VectorSubcoreMesh(core_axis_name="c", subcore_axis_name="s"),
    out_type=jax.ShapeDtypeStruct((_B, _D), jnp.float32),
    scratch_types=[
        pltpu.VMEM((2, 2, _CHUNK), jnp.int32),
        pltpu.VMEM((_BPW, _D), jnp.float32),
        pltpu.SemaphoreType.DMA,
    ],
)
def _sc_gather(table_hbm, idx_hbm, out_hbm, idx_v, rows_v, sem):
    wid = lax.axis_index("s") * _NC + lax.axis_index("c")
    pltpu.sync_copy(idx_hbm.at[pl.ds(2 * wid, 2)], idx_v)
    copies = [
        pltpu.make_async_copy(table_hbm.at[idx_v.at[c // 2].at[c % 2]],
                              rows_v.at[pl.ds(c * _CHUNK, _CHUNK)], sem)
        for c in range(_NCHUNK)
    ]
    for cp in copies:
        cp.start()
    for cp in copies:
        cp.wait()
    pltpu.sync_copy(rows_v, out_hbm.at[pl.ds(wid * _BPW, _BPW)])


def kernel(image_hidden_states, input_embeds):
    gidx = _topk_indices(image_hidden_states, input_embeds)
    rows = _sc_gather(image_hidden_states, gidx)
    return rows.reshape(_R, _K, _D)

# --- scband reference (transcript-rebuilt; emitter-appended) ---
"""Pipeline reference for scband-vpatch-76081050681672 (READ-ONLY COPY).

The authoritative reference and input builder live on the scoring server;
editing this copy changes nothing except your own understanding.
"""

import jax, jax.numpy as jnp
import numpy as np

NUM_ROIS = 64
TOKENS_PER_ROI = 1024
D = 128
TEXT_LEN = 64
VPATCH_COMPRESS_RATIO = 0.25
K = int(TOKENS_PER_ROI * VPATCH_COMPRESS_RATIO)


def setup_inputs(seed: int = 0) -> dict:
    key = jax.random.key(seed)
    k1, k2 = jax.random.split(key)
    image_hidden_states = jax.random.normal(k1, (NUM_ROIS * TOKENS_PER_ROI, D), dtype=jnp.float32)
    input_embeds = jax.random.normal(k2, (TEXT_LEN, D), dtype=jnp.float32)
    return {"image_hidden_states": image_hidden_states, "input_embeds": input_embeds}


def reference(image_hidden_states, input_embeds):
    # split_image_hidden_states: equal-size ROI chunks along the token dim
    rois = image_hidden_states.reshape(NUM_ROIS, TOKENS_PER_ROI, D)
    # similarity_calculation: cosine similarity between ROI tokens and text embeds
    rn = rois / (jnp.linalg.norm(rois, axis=-1, keepdims=True) + 1e-8)
    tn = input_embeds / (jnp.linalg.norm(input_embeds, axis=-1, keepdims=True) + 1e-8)
    sim_matrix = jnp.einsum('rtd,ld->rtl', rn, tn)  # [R, T, L]
    # similarity = sim_matrix.max(dim=-1)[0]
    similarity = jnp.max(sim_matrix, axis=-1)  # [R, T]
    # topk(roi_tokens * compress_ratio) per ROI, gather kept tokens
    _, idx = jax.lax.top_k(similarity, K)  # [R, K]
    filtered = jnp.take_along_axis(rois, idx[..., None], axis=1)  # [R, K, D]
    return filtered

if __name__ == "__main__":
    import jax
    _d = setup_inputs()
    print(jax.jit(kernel)(*tuple(_d.values())))

</pallas_src>

<mosaic_0001>
#map = affine_map<(d0, d1) -> (0, 0)>
#map1 = affine_map<(d0, d1) -> (0, 0, 0)>
module attributes {stable_mosaic.version = 14 : i64} {
  func.func @_sc_gather(%arg0: i32, %arg1: i32, %arg2: memref<65536x128xf32, #tpu.memory_space<hbm>>, %arg3: memref<64x2x128xi32, #tpu.memory_space<hbm>>, %arg4: memref<16384x128xf32, #tpu.memory_space<hbm>>, %arg5: memref<2x2x128xi32, #tpu.memory_space<vmem>>, %arg6: memref<512x128xf32, #tpu.memory_space<vmem>>, %arg7: memref<!tpu.dma_semaphore, #tpu.memory_space<semaphore_mem>>) attributes {dimension_semantics = [#tpu.dimension_semantics<core_parallel>, #tpu.dimension_semantics<subcore_parallel>], iteration_bounds = array<i64: 2, 16>, scalar_prefetch = 0 : i64, scratch_operands = 3 : i64, tpu.core_type = #tpu.core_type<sc_vector_subcore>, window_params = [{transform_indices = #map}, {transform_indices = #map1}, {transform_indices = #map}]} {
    %mul3A = arith.constant 2 : i32
    %mul3A_0 = arith.muli %arg1, %mul3A : i32
    %add3A = arith.addi %mul3A_0, %arg0 : i32
    %mul3A_1 = arith.constant 2 : i32
    %mul3A_2 = arith.muli %mul3A_1, %add3A : i32
    "tpu.region"() ({
      %run_scoped3A = tpu.sem_alloc : memref<!tpu.dma_semaphore, #tpu.memory_space<semaphore_mem>>
      %dma_start3A_123 = arith.constant 0 : i32
      %dma_start3A_124 = arith.constant 0 : i32
      %dma_start3A_125 = tpu.memref_slice %arg3[%mul3A_2, %dma_start3A_123, %dma_start3A_124] : memref<64x2x128xi32, #tpu.memory_space<hbm>> -> memref<2x2x128xi32, #tpu.memory_space<hbm>>
      %dma_start3A_126 = arith.constant 0 : i32
      %dma_start3A_127 = arith.constant 0 : i32
      %dma_start3A_128 = tpu.memref_slice %arg3[%mul3A_2, %dma_start3A_126, %dma_start3A_127] : memref<64x2x128xi32, #tpu.memory_space<hbm>> -> memref<2x2x128xi32, #tpu.memory_space<hbm>>
      tpu.enqueue_dma source(%dma_start3A_128 : memref<2x2x128xi32, #tpu.memory_space<hbm>>) target(%arg5 : memref<2x2x128xi32, #tpu.memory_space<vmem>>) target_semaphore(%run_scoped3A : memref<!tpu.dma_semaphore, #tpu.memory_space<semaphore_mem>>)
      %dma_wait3A_129 = arith.constant 0 : i32
      %dma_wait3A_130 = arith.constant 0 : i32
      %dma_wait3A_131 = tpu.memref_slice %arg3[%mul3A_2, %dma_wait3A_129, %dma_wait3A_130] : memref<64x2x128xi32, #tpu.memory_space<hbm>> -> memref<2x2x128xi32, #tpu.memory_space<hbm>>
      %dma_wait3A_132 = arith.constant 0 : i32
      %dma_wait3A_133 = arith.constant 0 : i32
      %dma_wait3A_134 = tpu.memref_slice %arg3[%mul3A_2, %dma_wait3A_132, %dma_wait3A_133] : memref<64x2x128xi32, #tpu.memory_space<hbm>> -> memref<2x2x128xi32, #tpu.memory_space<hbm>>
      tpu.wait_dma2 semaphore(%run_scoped3A : memref<!tpu.dma_semaphore, #tpu.memory_space<semaphore_mem>>) src(%dma_wait3A_134 : memref<2x2x128xi32, #tpu.memory_space<hbm>>) dst(%arg5 : memref<2x2x128xi32, #tpu.memory_space<vmem>>)
      tpu.yield
    }) : () -> ()
    %dma_start3A = arith.constant 0 : i32
    %dma_start3A_3 = arith.constant 0 : i32
    %dma_start3A_4 = arith.constant 0 : i32
    %dma_start3A_5 = arith.constant 0 : i32
    %dma_start3A_6 = tpu.memref_slice %arg6[%dma_start3A_4, %dma_start3A_5] : memref<512x128xf32, #tpu.memory_space<vmem>> -> memref<128x128xf32, #tpu.memory_space<vmem>>
    %dma_start3A_7 = arith.constant 0 : i32
    %dma_start3A_8 = arith.constant 0 : i32
    %dma_start3A_9 = tpu.memref_slice %arg5[%dma_start3A, %dma_start3A_7, %dma_start3A_8] : memref<2x2x128xi32, #tpu.memory_space<vmem>> -> memref<1x2x128xi32, #tpu.memory_space<vmem>>
    %dma_start3A_10 = tpu.memref_squeeze %dma_start3A_9 : memref<1x2x128xi32, #tpu.memory_space<vmem>> -> memref<2x128xi32, #tpu.memory_space<vmem>>
    %dma_start3A_11 = arith.constant 0 : i32
    %dma_start3A_12 = tpu.memref_slice %dma_start3A_10[%dma_start3A_3, %dma_start3A_11] : memref<2x128xi32, #tpu.memory_space<vmem>> -> memref<1x128xi32, #tpu.memory_space<vmem>>
    %dma_start3A_13 = tpu.memref_squeeze %dma_start3A_12 : memref<1x128xi32, #tpu.memory_space<vmem>> -> memref<128xi32, #tpu.memory_space<vmem>>
    %dma_start3A_14 = arith.constant 0 : i32
    %dma_start3A_15 = arith.constant 0 : i32
    %dma_start3A_16 = tpu.memref_slice %arg2[%dma_start3A_14, %dma_start3A_15] : memref<65536x128xf32, #tpu.memory_space<hbm>> -> memref<65536x128xf32, #tpu.memory_space<hbm>>
    tpu.enqueue_indirect_dma source(%dma_start3A_16 : memref<65536x128xf32, #tpu.memory_space<hbm>>) target(%dma_start3A_6 : memref<128x128xf32, #tpu.memory_space<vmem>>) offsets(%dma_start3A_13 : memref<128xi32, #tpu.memory_space<vmem>>) semaphore(%arg7 : memref<!tpu.dma_semaphore, #tpu.memory_space<semaphore_mem>>)
    %dma_start3A_17 = arith.constant 0 : i32
    %dma_start3A_18 = arith.constant 1 : i32
    %dma_start3A_19 = arith.constant 128 : i32
    %dma_start3A_20 = arith.constant 0 : i32
    %dma_start3A_21 = tpu.memref_slice %arg6[%dma_start3A_19, %dma_start3A_20] : memref<512x128xf32, #tpu.memory_space<vmem>> -> memref<128x128xf32, #tpu.memory_space<vmem>>
    %dma_start3A_22 = arith.constant 0 : i32
    %dma_start3A_23 = arith.constant 0 : i32
    %dma_start3A_24 = tpu.memref_slice %arg5[%dma_start3A_17, %dma_start3A_22, %dma_start3A_23] : memref<2x2x128xi32, #tpu.memory_space<vmem>> -> memref<1x2x128xi32, #tpu.memory_space<vmem>>
    %dma_start3A_25 = tpu.memref_squeeze %dma_start3A_24 : memref<1x2x128xi32, #tpu.memory_space<vmem>> -> memref<2x128xi32, #tpu.memory_space<vmem>>
    %dma_start3A_26 = arith.constant 0 : i32
    %dma_start3A_27 = tpu.memref_slice %dma_start3A_25[%dma_start3A_18, %dma_start3A_26] : memref<2x128xi32, #tpu.memory_space<vmem>> -> memref<1x128xi32, #tpu.memory_space<vmem>>
    %dma_start3A_28 = tpu.memref_squeeze %dma_start3A_27 : memref<1x128xi32, #tpu.memory_space<vmem>> -> memref<128xi32, #tpu.memory_space<vmem>>
    %dma_start3A_29 = arith.constant 0 : i32
    %dma_start3A_30 = arith.constant 0 : i32
    %dma_start3A_31 = tpu.memref_slice %arg2[%dma_start3A_29, %dma_start3A_30] : memref<65536x128xf32, #tpu.memory_space<hbm>> -> memref<65536x128xf32, #tpu.memory_space<hbm>>
    tpu.enqueue_indirect_dma source(%dma_start3A_31 : memref<65536x128xf32, #tpu.memory_space<hbm>>) target(%dma_start3A_21 : memref<128x128xf32, #tpu.memory_space<vmem>>) offsets(%dma_start3A_28 : memref<128xi32, #tpu.memory_space<vmem>>) semaphore(%arg7 : memref<!tpu.dma_semaphore, #tpu.memory_space<semaphore_mem>>)
    %dma_start3A_32 = arith.constant 1 : i32
    %dma_start3A_33 = arith.constant 0 : i32
    %dma_start3A_34 = arith.constant 256 : i32
    %dma_start3A_35 = arith.constant 0 : i32
    %dma_start3A_36 = tpu.memref_slice %arg6[%dma_start3A_34, %dma_start3A_35] : memref<512x128xf32, #tpu.memory_space<vmem>> -> memref<128x128xf32, #tpu.memory_space<vmem>>
    %dma_start3A_37 = arith.constant 0 : i32
    %dma_start3A_38 = arith.constant 0 : i32
    %dma_start3A_39 = tpu.memref_slice %arg5[%dma_start3A_32, %dma_start3A_37, %dma_start3A_38] : memref<2x2x128xi32, #tpu.memory_space<vmem>> -> memref<1x2x128xi32, #tpu.memory_space<vmem>>
    %dma_start3A_40 = tpu.memref_squeeze %dma_start3A_39 : memref<1x2x128xi32, #tpu.memory_space<vmem>> -> memref<2x128xi32, #tpu.memory_space<vmem>>
    %dma_start3A_41 = arith.constant 0 : i32
    %dma_start3A_42 = tpu.memref_slice %dma_start3A_40[%dma_start3A_33, %dma_start3A_41] : memref<2x128xi32, #tpu.memory_space<vmem>> -> memref<1x128xi32, #tpu.memory_space<vmem>>
    %dma_start3A_43 = tpu.memref_squeeze %dma_start3A_42 : memref<1x128xi32, #tpu.memory_space<vmem>> -> memref<128xi32, #tpu.memory_space<vmem>>
    %dma_start3A_44 = arith.constant 0 : i32
    %dma_start3A_45 = arith.constant 0 : i32
    %dma_start3A_46 = tpu.memref_slice %arg2[%dma_start3A_44, %dma_start3A_45] : memref<65536x128xf32, #tpu.memory_space<hbm>> -> memref<65536x128xf32, #tpu.memory_space<hbm>>
    tpu.enqueue_indirect_dma source(%dma_start3A_46 : memref<65536x128xf32, #tpu.memory_space<hbm>>) target(%dma_start3A_36 : memref<128x128xf32, #tpu.memory_space<vmem>>) offsets(%dma_start3A_43 : memref<128xi32, #tpu.memory_space<vmem>>) semaphore(%arg7 : memref<!tpu.dma_semaphore, #tpu.memory_space<semaphore_mem>>)
    %dma_start3A_47 = arith.constant 1 : i32
    %dma_start3A_48 = arith.constant 1 : i32
    %dma_start3A_49 = arith.constant 384 : i32
    %dma_start3A_50 = arith.constant 0 : i32
    %dma_start3A_51 = tpu.memref_slice %arg6[%dma_start3A_49, %dma_start3A_50] : memref<512x128xf32, #tpu.memory_space<vmem>> -> memref<128x128xf32, #tpu.memory_space<vmem>>
    %dma_start3A_52 = arith.constant 0 : i32
    %dma_start3A_53 = arith.constant 0 : i32
    %dma_start3A_54 = tpu.memref_slice %arg5[%dma_start3A_47, %dma_start3A_52, %dma_start3A_53] : memref<2x2x128xi32, #tpu.memory_space<vmem>> -> memref<1x2x128xi32, #tpu.memory_space<vmem>>
    %dma_start3A_55 = tpu.memref_squeeze %dma_start3A_54 : memref<1x2x128xi32, #tpu.memory_space<vmem>> -> memref<2x128xi32, #tpu.memory_space<vmem>>
    %dma_start3A_56 = arith.constant 0 : i32
    %dma_start3A_57 = tpu.memref_slice %dma_start3A_55[%dma_start3A_48, %dma_start3A_56] : memref<2x128xi32, #tpu.memory_space<vmem>> -> memref<1x128xi32, #tpu.memory_space<vmem>>
    %dma_start3A_58 = tpu.memref_squeeze %dma_start3A_57 : memref<1x128xi32, #tpu.memory_space<vmem>> -> memref<128xi32, #tpu.memory_space<vmem>>
    %dma_start3A_59 = arith.constant 0 : i32
    %dma_start3A_60 = arith.constant 0 : i32
    %dma_start3A_61 = tpu.memref_slice %arg2[%dma_start3A_59, %dma_start3A_60] : memref<65536x128xf32, #tpu.memory_space<hbm>> -> memref<65536x128xf32, #tpu.memory_space<hbm>>
    tpu.enqueue_indirect_dma source(%dma_start3A_61 : memref<65536x128xf32, #tpu.memory_space<hbm>>) target(%dma_start3A_51 : memref<128x128xf32, #tpu.memory_space<vmem>>) offsets(%dma_start3A_58 : memref<128xi32, #tpu.memory_space<vmem>>) semaphore(%arg7 : memref<!tpu.dma_semaphore, #tpu.memory_space<semaphore_mem>>)
    %dma_wait3A = arith.constant 0 : i32
    %dma_wait3A_62 = arith.constant 0 : i32
    %dma_wait3A_63 = arith.constant 0 : i32
    %dma_wait3A_64 = arith.constant 0 : i32
    %dma_wait3A_65 = tpu.memref_slice %arg6[%dma_wait3A_63, %dma_wait3A_64] : memref<512x128xf32, #tpu.memory_space<vmem>> -> memref<128x128xf32, #tpu.memory_space<vmem>>
    %dma_wait3A_66 = arith.constant 0 : i32
    %dma_wait3A_67 = arith.constant 0 : i32
    %dma_wait3A_68 = tpu.memref_slice %arg5[%dma_wait3A, %dma_wait3A_66, %dma_wait3A_67] : memref<2x2x128xi32, #tpu.memory_space<vmem>> -> memref<1x2x128xi32, #tpu.memory_space<vmem>>
    %dma_wait3A_69 = tpu.memref_squeeze %dma_wait3A_68 : memref<1x2x128xi32, #tpu.memory_space<vmem>> -> memref<2x128xi32, #tpu.memory_space<vmem>>
    %dma_wait3A_70 = arith.constant 0 : i32
    %dma_wait3A_71 = tpu.memref_slice %dma_wait3A_69[%dma_wait3A_62, %dma_wait3A_70] : memref<2x128xi32, #tpu.memory_space<vmem>> -> memref<1x128xi32, #tpu.memory_space<vmem>>
    %dma_wait3A_72 = tpu.memref_squeeze %dma_wait3A_71 : memref<1x128xi32, #tpu.memory_space<vmem>> -> memref<128xi32, #tpu.memory_space<vmem>>
    %dma_wait3A_73 = arith.constant 0 : i32
    %dma_wait3A_74 = arith.constant 0 : i32
    %dma_wait3A_75 = tpu.memref_slice %arg2[%dma_wait3A_73, %dma_wait3A_74] : memref<65536x128xf32, #tpu.memory_space<hbm>> -> memref<65536x128xf32, #tpu.memory_space<hbm>>
    tpu.wait_indirect_dma semaphore(%arg7 : memref<!tpu.dma_semaphore, #tpu.memory_space<semaphore_mem>>) src(%dma_wait3A_75 : memref<65536x128xf32, #tpu.memory_space<hbm>>) dst(%dma_wait3A_65 : memref<128x128xf32, #tpu.memory_space<vmem>>)
    %dma_wait3A_76 = arith.constant 0 : i32
    %dma_wait3A_77 = arith.constant 1 : i32
    %dma_wait3A_78 = arith.constant 128 : i32
    %dma_wait3A_79 = arith.constant 0 : i32
    %dma_wait3A_80 = tpu.memref_slice %arg6[%dma_wait3A_78, %dma_wait3A_79] : memref<512x128xf32, #tpu.memory_space<vmem>> -> memref<128x128xf32, #tpu.memory_space<vmem>>
    %dma_wait3A_81 = arith.constant 0 : i32
    %dma_wait3A_82 = arith.constant 0 : i32
    %dma_wait3A_83 = tpu.memref_slice %arg5[%dma_wait3A_76, %dma_wait3A_81, %dma_wait3A_82] : memref<2x2x128xi32, #tpu.memory_space<vmem>> -> memref<1x2x128xi32, #tpu.memory_space<vmem>>
    %dma_wait3A_84 = tpu.memref_squeeze %dma_wait3A_83 : memref<1x2x128xi32, #tpu.memory_space<vmem>> -> memref<2x128xi32, #tpu.memory_space<vmem>>
    %dma_wait3A_85 = arith.constant 0 : i32
    %dma_wait3A_86 = tpu.memref_slice %dma_wait3A_84[%dma_wait3A_77, %dma_wait3A_85] : memref<2x128xi32, #tpu.memory_space<vmem>> -> memref<1x128xi32, #tpu.memory_space<vmem>>
    %dma_wait3A_87 = tpu.memref_squeeze %dma_wait3A_86 : memref<1x128xi32, #tpu.memory_space<vmem>> -> memref<128xi32, #tpu.memory_space<vmem>>
    %dma_wait3A_88 = arith.constant 0 : i32
    %dma_wait3A_89 = arith.constant 0 : i32
    %dma_wait3A_90 = tpu.memref_slice %arg2[%dma_wait3A_88, %dma_wait3A_89] : memref<65536x128xf32, #tpu.memory_space<hbm>> -> memref<65536x128xf32, #tpu.memory_space<hbm>>
    tpu.wait_indirect_dma semaphore(%arg7 : memref<!tpu.dma_semaphore, #tpu.memory_space<semaphore_mem>>) src(%dma_wait3A_90 : memref<65536x128xf32, #tpu.memory_space<hbm>>) dst(%dma_wait3A_80 : memref<128x128xf32, #tpu.memory_space<vmem>>)
    %dma_wait3A_91 = arith.constant 1 : i32
    %dma_wait3A_92 = arith.constant 0 : i32
    %dma_wait3A_93 = arith.constant 256 : i32
    %dma_wait3A_94 = arith.constant 0 : i32
    %dma_wait3A_95 = tpu.memref_slice %arg6[%dma_wait3A_93, %dma_wait3A_94] : memref<512x128xf32, #tpu.memory_space<vmem>> -> memref<128x128xf32, #tpu.memory_space<vmem>>
    %dma_wait3A_96 = arith.constant 0 : i32
    %dma_wait3A_97 = arith.constant 0 : i32
    %dma_wait3A_98 = tpu.memref_slice %arg5[%dma_wait3A_91, %dma_wait3A_96, %dma_wait3A_97] : memref<2x2x128xi32, #tpu.memory_space<vmem>> -> memref<1x2x128xi32, #tpu.memory_space<vmem>>
    %dma_wait3A_99 = tpu.memref_squeeze %dma_wait3A_98 : memref<1x2x128xi32, #tpu.memory_space<vmem>> -> memref<2x128xi32, #tpu.memory_space<vmem>>
    %dma_wait3A_100 = arith.constant 0 : i32
    %dma_wait3A_101 = tpu.memref_slice %dma_wait3A_99[%dma_wait3A_92, %dma_wait3A_100] : memref<2x128xi32, #tpu.memory_space<vmem>> -> memref<1x128xi32, #tpu.memory_space<vmem>>
    %dma_wait3A_102 = tpu.memref_squeeze %dma_wait3A_101 : memref<1x128xi32, #tpu.memory_space<vmem>> -> memref<128xi32, #tpu.memory_space<vmem>>
    %dma_wait3A_103 = arith.constant 0 : i32
    %dma_wait3A_104 = arith.constant 0 : i32
    %dma_wait3A_105 = tpu.memref_slice %arg2[%dma_wait3A_103, %dma_wait3A_104] : memref<65536x128xf32, #tpu.memory_space<hbm>> -> memref<65536x128xf32, #tpu.memory_space<hbm>>
    tpu.wait_indirect_dma semaphore(%arg7 : memref<!tpu.dma_semaphore, #tpu.memory_space<semaphore_mem>>) src(%dma_wait3A_105 : memref<65536x128xf32, #tpu.memory_space<hbm>>) dst(%dma_wait3A_95 : memref<128x128xf32, #tpu.memory_space<vmem>>)
    %dma_wait3A_106 = arith.constant 1 : i32
    %dma_wait3A_107 = arith.constant 1 : i32
    %dma_wait3A_108 = arith.constant 384 : i32
    %dma_wait3A_109 = arith.constant 0 : i32
    %dma_wait3A_110 = tpu.memref_slice %arg6[%dma_wait3A_108, %dma_wait3A_109] : memref<512x128xf32, #tpu.memory_space<vmem>> -> memref<128x128xf32, #tpu.memory_space<vmem>>
    %dma_wait3A_111 = arith.constant 0 : i32
    %dma_wait3A_112 = arith.constant 0 : i32
    %dma_wait3A_113 = tpu.memref_slice %arg5[%dma_wait3A_106, %dma_wait3A_111, %dma_wait3A_112] : memref<2x2x128xi32, #tpu.memory_space<vmem>> -> memref<1x2x128xi32, #tpu.memory_space<vmem>>
    %dma_wait3A_114 = tpu.memref_squeeze %dma_wait3A_113 : memref<1x2x128xi32, #tpu.memory_space<vmem>> -> memref<2x128xi32, #tpu.memory_space<vmem>>
    %dma_wait3A_115 = arith.constant 0 : i32
    %dma_wait3A_116 = tpu.memref_slice %dma_wait3A_114[%dma_wait3A_107, %dma_wait3A_115] : memref<2x128xi32, #tpu.memory_space<vmem>> -> memref<1x128xi32, #tpu.memory_space<vmem>>
    %dma_wait3A_117 = tpu.memref_squeeze %dma_wait3A_116 : memref<1x128xi32, #tpu.memory_space<vmem>> -> memref<128xi32, #tpu.memory_space<vmem>>
    %dma_wait3A_118 = arith.constant 0 : i32
    %dma_wait3A_119 = arith.constant 0 : i32
    %dma_wait3A_120 = tpu.memref_slice %arg2[%dma_wait3A_118, %dma_wait3A_119] : memref<65536x128xf32, #tpu.memory_space<hbm>> -> memref<65536x128xf32, #tpu.memory_space<hbm>>
    tpu.wait_indirect_dma semaphore(%arg7 : memref<!tpu.dma_semaphore, #tpu.memory_space<semaphore_mem>>) src(%dma_wait3A_120 : memref<65536x128xf32, #tpu.memory_space<hbm>>) dst(%dma_wait3A_110 : memref<128x128xf32, #tpu.memory_space<vmem>>)
    %mul3A_121 = arith.constant 512 : i32
    %mul3A_122 = arith.muli %add3A, %mul3A_121 : i32
    "tpu.region"() ({
      %run_scoped3A = tpu.sem_alloc : memref<!tpu.dma_semaphore, #tpu.memory_space<semaphore_mem>>
      %dma_start3A_123 = arith.constant 0 : i32
      %dma_start3A_124 = tpu.memref_slice %arg4[%mul3A_122, %dma_start3A_123] : memref<16384x128xf32, #tpu.memory_space<hbm>> -> memref<512x128xf32, #tpu.memory_space<hbm>>
      %dma_start3A_125 = arith.constant 0 : i32
      %dma_start3A_126 = tpu.memref_slice %arg4[%mul3A_122, %dma_start3A_125] : memref<16384x128xf32, #tpu.memory_space<hbm>> -> memref<512x128xf32, #tpu.memory_space<hbm>>
      tpu.enqueue_dma source(%arg6 : memref<512x128xf32, #tpu.memory_space<vmem>>) target(%dma_start3A_126 : memref<512x128xf32, #tpu.memory_space<hbm>>) target_semaphore(%run_scoped3A : memref<!tpu.dma_semaphore, #tpu.memory_space<semaphore_mem>>)
      %dma_wait3A_127 = arith.constant 0 : i32
      %dma_wait3A_128 = tpu.memref_slice %arg4[%mul3A_122, %dma_wait3A_127] : memref<16384x128xf32, #tpu.memory_space<hbm>> -> memref<512x128xf32, #tpu.memory_space<hbm>>
      %dma_wait3A_129 = arith.constant 0 : i32
      %dma_wait3A_130 = tpu.memref_slice %arg4[%mul3A_122, %dma_wait3A_129] : memref<16384x128xf32, #tpu.memory_space<hbm>> -> memref<512x128xf32, #tpu.memory_space<hbm>>
      tpu.wait_dma2 semaphore(%run_scoped3A : memref<!tpu.dma_semaphore, #tpu.memory_space<semaphore_mem>>) src(%arg6 : memref<512x128xf32, #tpu.memory_space<vmem>>) dst(%dma_wait3A_130 : memref<512x128xf32, #tpu.memory_space<hbm>>)
      tpu.yield
    }) : () -> ()
    return
  }
}

module attributes {stable_mosaic.version = 14 : i64} {
  func.func @_topk_idx_body(%arg0: i32, %arg1: memref<64x128xf32, #tpu.memory_space<vmem>>, %arg2: memref<4096x128xf32, #tpu.memory_space<vmem>>, %arg3: memref<4x2x128xi32, #tpu.memory_space<vmem>>) attributes {dimension_semantics = [#tpu.dimension_semantics<arbitrary>], iteration_bounds = array<i64: 16>, scalar_prefetch = 0 : i64, scratch_operands = 0 : i64, tpu.core_type = #tpu.core_type<tc>, window_params = [{pipeline_mode = #tpu.pipeline_mode<synchronous>, transform_indices = @transform_0, window_bounds = array<i64: 64, 128>}, {transform_indices = @transform_1, window_bounds = array<i64: 4096, 128>}, {transform_indices = @transform_2, window_bounds = array<i64: 4, 2, 128>}]} {
    %get3A = arith.constant 0 : index
    %get3A_0 = arith.constant 0 : index
    %get3A_1 = vector.load %arg1[%get3A, %get3A_0] : memref<64x128xf32, #tpu.memory_space<vmem>>, vector<64x128xf32>
    %mul3A = arith.mulf %get3A_1, %get3A_1 : vector<64x128xf32>
    %transpose3A = tpu.transpose %mul3A, [1, 0] : vector<64x128xf32> -> vector<128x64xf32>
    %reduce_sum3A = arith.constant dense<0.000000e+00> : vector<64xf32>
    %reduce_sum3A_2 = vector.multi_reduction <add>, %transpose3A, %reduce_sum3A [0] : vector<128x64xf32> to vector<64xf32>
    %broadcast_in_dim3A = vector.shape_cast %reduce_sum3A_2 : vector<64xf32> to vector<1x64xf32>
    %sqrt3A = math.sqrt %broadcast_in_dim3A : vector<1x64xf32>
    %transpose3A_3 = tpu.transpose %sqrt3A, [1, 0] : vector<1x64xf32> -> vector<64x1xf32>
    %add3A = arith.constant 9.99999993E-9 : f32
    %add3A_4 = vector.broadcast %add3A : f32 to vector<64x1xf32>
    %add3A_5 = arith.addf %transpose3A_3, %add3A_4 : vector<64x1xf32>
    %div3A = vector.broadcast %add3A_5 : vector<64x1xf32> to vector<64x128xf32>
    %div3A_6 = arith.divf %get3A_1, %div3A : vector<64x128xf32>
    %convert_element_type3A = arith.truncf %div3A_6 : vector<64x128xf32> to vector<64x128xbf16>
    %get3A_7 = arith.constant 0 : index
    %get3A_8 = arith.constant 0 : index
    %get3A_9 = vector.load %arg2[%get3A_7, %get3A_8] : memref<4096x128xf32, #tpu.memory_space<vmem>>, vector<1024x128xf32>
    %mul3A_10 = arith.mulf %get3A_9, %get3A_9 : vector<1024x128xf32>
    %transpose3A_11 = tpu.transpose %mul3A_10, [1, 0] : vector<1024x128xf32> -> vector<128x1024xf32>
    %reduce_sum3A_12 = arith.constant dense<0.000000e+00> : vector<1024xf32>
    %reduce_sum3A_13 = vector.multi_reduction <add>, %transpose3A_11, %reduce_sum3A_12 [0] : vector<128x1024xf32> to vector<1024xf32>
    %broadcast_in_dim3A_14 = vector.shape_cast %reduce_sum3A_13 : vector<1024xf32> to vector<1x1024xf32>
    %sqrt3A_15 = math.sqrt %broadcast_in_dim3A_14 : vector<1x1024xf32>
    %transpose3A_16 = tpu.transpose %sqrt3A_15, [1, 0] : vector<1x1024xf32> -> vector<1024x1xf32>
    %add3A_17 = arith.constant 9.99999993E-9 : f32
    %add3A_18 = vector.broadcast %add3A_17 : f32 to vector<1024x1xf32>
    %add3A_19 = arith.addf %transpose3A_16, %add3A_18 : vector<1024x1xf32>
    %div3A_20 = vector.broadcast %add3A_19 : vector<1024x1xf32> to vector<1024x128xf32>
    %div3A_21 = arith.divf %get3A_9, %div3A_20 : vector<1024x128xf32>
    %convert_element_type3A_22 = arith.truncf %div3A_21 : vector<1024x128xf32> to vector<1024x128xbf16>
    %dot_general3A = arith.constant dense<0.000000e+00> : vector<1024x64xf32>
    %dot_general3A_23 = tpu.matmul %convert_element_type3A_22, %convert_element_type3A, %dot_general3A {dimension_numbers = #tpu.dot_dimension_numbers<[1], [1], [0], [0], [0, 0, 1, 0], [], []>, transpose_lhs_hint = false} : vector<1024x128xbf16>, vector<64x128xbf16>, vector<1024x64xf32> -> vector<1024x64xf32>
    %reduce_max3A = arith.constant dense<0xFF800000> : vector<1024xf32>
    %reduce_max3A_24 = vector.multi_reduction <maximumf>, %dot_general3A_23, %reduce_max3A [1] : vector<1024x64xf32> to vector<1024xf32>
    %broadcast_in_dim3A_25 = vector.shape_cast %reduce_max3A_24 : vector<1024xf32> to vector<1024x1xf32>
    %broadcast_in_dim3A_26 = vector.shape_cast %broadcast_in_dim3A_25 : vector<1024x1xf32> to vector<1024x1xf32>
    %broadcast_in_dim3A_27 = vector.broadcast %broadcast_in_dim3A_26 : vector<1024x1xf32> to vector<1024x1024xf32>
    %broadcast_in_dim3A_28 = vector.shape_cast %reduce_max3A_24 : vector<1024xf32> to vector<1x1024xf32>
    %broadcast_in_dim3A_29 = vector.shape_cast %broadcast_in_dim3A_28 : vector<1x1024xf32> to vector<1x1024xf32>
    %broadcast_in_dim3A_30 = vector.broadcast %broadcast_in_dim3A_29 : vector<1x1024xf32> to vector<1024x1024xf32>
    %iota3A = tpu.iota {dimensions = array<i32: 0>} : vector<1024x1024xi32>
    %iota3A_31 = tpu.iota {dimensions = array<i32: 1>} : vector<1024x1024xi32>
    %gt3A = arith.cmpf ogt, %broadcast_in_dim3A_27, %broadcast_in_dim3A_30 : vector<1024x1024xf32>
    %eq3A = arith.cmpf oeq, %broadcast_in_dim3A_27, %broadcast_in_dim3A_30 : vector<1024x1024xf32>
    %lt3A = arith.cmpi slt, %iota3A, %iota3A_31 : vector<1024x1024xi32>
    %and3A = arith.andi %eq3A, %lt3A : vector<1024x1024xi1>
    %or3A = arith.ori %gt3A, %and3A : vector<1024x1024xi1>
    %convert_element_type3A_32 = arith.extui %or3A : vector<1024x1024xi1> to vector<1024x1024xi32>
    %reduce_sum3A_33 = arith.constant dense<0> : vector<1024xi32>
    %reduce_sum3A_34 = vector.multi_reduction <add>, %convert_element_type3A_32, %reduce_sum3A_33 [0] : vector<1024x1024xi32> to vector<1024xi32>
    %iota3A_35 = tpu.iota {dimensions = array<i32: 0>} : vector<256x1024xi32>
    %broadcast_in_dim3A_36 = vector.shape_cast %reduce_sum3A_34 : vector<1024xi32> to vector<1x1024xi32>
    %broadcast_in_dim3A_37 = vector.shape_cast %broadcast_in_dim3A_36 : vector<1x1024xi32> to vector<1x1024xi32>
    %broadcast_in_dim3A_38 = vector.broadcast %broadcast_in_dim3A_37 : vector<1x1024xi32> to vector<256x1024xi32>
    %eq3A_39 = arith.cmpi eq, %broadcast_in_dim3A_38, %iota3A_35 : vector<256x1024xi32>
    %convert_element_type3A_40 = arith.extui %eq3A_39 : vector<256x1024xi1> to vector<256x1024xi32>
    %convert_element_type3A_41 = arith.sitofp %convert_element_type3A_40 : vector<256x1024xi32> to vector<256x1024xf32>
    %convert_element_type3A_42 = arith.truncf %convert_element_type3A_41 : vector<256x1024xf32> to vector<256x1024xbf16>
    %iota3A_43 = tpu.iota {dimensions = array<i32: 1>} : vector<1x1024xi32>
    %shift_right_arithmetic3A = arith.constant 8 : i32
    %shift_right_arithmetic3A_44 = vector.broadcast %shift_right_arithmetic3A : i32 to vector<1x1024xi32>
    %shift_right_arithmetic3A_45 = arith.shrsi %iota3A_43, %shift_right_arithmetic3A_44 : vector<1x1024xi32>
    %convert_element_type3A_46 = arith.sitofp %shift_right_arithmetic3A_45 : vector<1x1024xi32> to vector<1x1024xf32>
    %and3A_47 = arith.constant 255 : i32
    %and3A_48 = vector.broadcast %and3A_47 : i32 to vector<1x1024xi32>
    %and3A_49 = arith.andi %iota3A_43, %and3A_48 : vector<1x1024xi32>
    %convert_element_type3A_50 = arith.sitofp %and3A_49 : vector<1x1024xi32> to vector<1x1024xf32>
    %convert_element_type3A_51 = arith.truncf %convert_element_type3A_50 : vector<1x1024xf32> to vector<1x1024xbf16>
    %dot_general3A_52 = arith.constant dense<0.000000e+00> : vector<1x256xf32>
    %dot_general3A_53 = tpu.matmul %convert_element_type3A_51, %convert_element_type3A_42, %dot_general3A_52 {dimension_numbers = #tpu.dot_dimension_numbers<[1], [1], [0], [0], [0, 0, 1, 0], [], []>, transpose_lhs_hint = false} : vector<1x1024xbf16>, vector<256x1024xbf16>, vector<1x256xf32> -> vector<1x256xf32>
    %convert_element_type3A_54 = arith.truncf %convert_element_type3A_46 : vector<1x1024xf32> to vector<1x1024xbf16>
    %dot_general3A_55 = arith.constant dense<0.000000e+00> : vector<1x256xf32>
    %dot_general3A_56 = tpu.matmul %convert_element_type3A_54, %convert_element_type3A_42, %dot_general3A_55 {dimension_numbers = #tpu.dot_dimension_numbers<[1], [1], [0], [0], [0, 0, 1, 0], [], []>, transpose_lhs_hint = false} : vector<1x1024xbf16>, vector<256x1024xbf16>, vector<1x256xf32> -> vector<1x256xf32>
    %mul3A_57 = arith.constant 4 : i32
    %mul3A_58 = arith.muli %arg0, %mul3A_57 : i32
    %add3A_59 = arith.constant 0 : i32
    %add3A_60 = arith.addi %mul3A_58, %add3A_59 : i32
    %mul3A_61 = arith.constant 2.560000e+02 : f32
    %mul3A_62 = vector.broadcast %mul3A_61 : f32 to vector<1x256xf32>
    %mul3A_63 = arith.mulf %dot_general3A_56, %mul3A_62 : vector<1x256xf32>
    %add3A_64 = arith.addf %dot_general3A_53, %mul3A_63 : vector<1x256xf32>
    %convert_element_type3A_65 = arith.sitofp %add3A_60 : i32 to f32
    %mul3A_66 = arith.constant 1.024000e+03 : f32
    %mul3A_67 = arith.mulf %mul3A_66, %convert_element_type3A_65 : f32
    %add3A_68 = vector.broadcast %mul3A_67 : f32 to vector<1x256xf32>
    %add3A_69 = arith.addf %add3A_64, %add3A_68 : vector<1x256xf32>
    %convert_element_type3A_70 = arith.fptosi %add3A_69 : vector<1x256xf32> to vector<1x256xi32>
    %reshape3A = vector.shape_cast %convert_element_type3A_70 : vector<1x256xi32> to vector<2x128xi32>
    %swap3A = arith.constant 0 : index
    %swap3A_71 = arith.constant 0 : index
    %swap3A_72 = arith.constant 0 : index
    %swap3A_73 = vector.load %arg3[%swap3A, %swap3A_71, %swap3A_72] : memref<4x2x128xi32, #tpu.memory_space<vmem>>, vector<1x2x128xi32>
    %swap3A_74 = vector.shape_cast %swap3A_73 : vector<1x2x128xi32> to vector<2x128xi32>
    %swap3A_75 = vector.shape_cast %reshape3A : vector<2x128xi32> to vector<1x2x128xi32>
    tpu.vector_store %arg3[%swap3A, %swap3A_71, %swap3A_72], %swap3A_75 {strides = array<i32>} : memref<4x2x128xi32, #tpu.memory_space<vmem>>, vector<1x2x128xi32>,
    %get3A_76 = arith.constant 1024 : index
    %get3A_77 = arith.constant 0 : index
    %get3A_78 = vector.load %arg2[%get3A_76, %get3A_77] : memref<4096x128xf32, #tpu.memory_space<vmem>>, vector<1024x128xf32>
    %mul3A_79 = arith.mulf %get3A_78, %get3A_78 : vector<1024x128xf32>
    %transpose3A_80 = tpu.transpose %mul3A_79, [1, 0] : vector<1024x128xf32> -> vector<128x1024xf32>
    %reduce_sum3A_81 = arith.constant dense<0.000000e+00> : vector<1024xf32>
    %reduce_sum3A_82 = vector.multi_reduction <add>, %transpose3A_80, %reduce_sum3A_81 [0] : vector<128x1024xf32> to vector<1024xf32>
    %broadcast_in_dim3A_83 = vector.shape_cast %reduce_sum3A_82 : vector<1024xf32> to vector<1x1024xf32>
    %sqrt3A_84 = math.sqrt %broadcast_in_dim3A_83 : vector<1x1024xf32>
    %transpose3A_85 = tpu.transpose %sqrt3A_84, [1, 0] : vector<1x1024xf32> -> vector<1024x1xf32>
    %add3A_86 = arith.constant 9.99999993E-9 : f32
    %add3A_87 = vector.broadcast %add3A_86 : f32 to vector<1024x1xf32>
    %add3A_88 = arith.addf %transpose3A_85, %add3A_87 : vector<1024x1xf32>
    %div3A_89 = vector.broadcast %add3A_88 : vector<1024x1xf32> to vector<1024x128xf32>
    %div3A_90 = arith.divf %get3A_78, %div3A_89 : vector<1024x128xf32>
    %convert_element_type3A_91 = arith.truncf %div3A_90 : vector<1024x128xf32> to vector<1024x128xbf16>
    %dot_general3A_92 = arith.constant dense<0.000000e+00> : vector<1024x64xf32>
    %dot_general3A_93 = tpu.matmul %convert_element_type3A_91, %convert_element_type3A, %dot_general3A_92 {dimension_numbers = #tpu.dot_dimension_numbers<[1], [1], [0], [0], [0, 0, 1, 0], [], []>, transpose_lhs_hint = false} : vector<1024x128xbf16>, vector<64x128xbf16>, vector<1024x64xf32> -> vector<1024x64xf32>
    %reduce_max3A_94 = arith.constant dense<0xFF800000> : vector<1024xf32>
    %reduce_max3A_95 = vector.multi_reduction <maximumf>, %dot_general3A_93, %reduce_max3A_94 [1] : vector<1024x64xf32> to vector<1024xf32>
    %broadcast_in_dim3A_96 = vector.shape_cast %reduce_max3A_95 : vector<1024xf32> to vector<1024x1xf32>
    %broadcast_in_dim3A_97 = vector.shape_cast %broadcast_in_dim3A_96 : vector<1024x1xf32> to vector<1024x1xf32>
    %broadcast_in_dim3A_98 = vector.broadcast %broadcast_in_dim3A_97 : vector<1024x1xf32> to vector<1024x1024xf32>
    %broadcast_in_dim3A_99 = vector.shape_cast %reduce_max3A_95 : vector<1024xf32> to vector<1x1024xf32>
    %broadcast_in_dim3A_100 = vector.shape_cast %broadcast_in_dim3A_99 : vector<1x1024xf32> to vector<1x1024xf32>
    %broadcast_in_dim3A_101 = vector.broadcast %broadcast_in_dim3A_100 : vector<1x1024xf32> to vector<1024x1024xf32>
    %iota3A_102 = tpu.iota {dimensions = array<i32: 0>} : vector<1024x1024xi32>
    %iota3A_103 = tpu.iota {dimensions = array<i32: 1>} : vector<1024x1024xi32>
    %gt3A_104 = arith.cmpf ogt, %broadcast_in_dim3A_98, %broadcast_in_dim3A_101 : vector<1024x1024xf32>
    %eq3A_105 = arith.cmpf oeq, %broadcast_in_dim3A_98, %broadcast_in_dim3A_101 : vector<1024x1024xf32>
    %lt3A_106 = arith.cmpi slt, %iota3A_102, %iota3A_103 : vector<1024x1024xi32>
    %and3A_107 = arith.andi %eq3A_105, %lt3A_106 : vector<1024x1024xi1>
    %or3A_108 = arith.ori %gt3A_104, %and3A_107 : vector<1024x1024xi1>
    %convert_element_type3A_109 = arith.extui %or3A_108 : vector<1024x1024xi1> to vector<1024x1024xi32>
    %reduce_sum3A_110 = arith.constant dense<0> : vector<1024xi32>
    %reduce_sum3A_111 = vector.multi_reduction <add>, %convert_element_type3A_109, %reduce_sum3A_110 [0] : vector<1024x1024xi32> to vector<1024xi32>
    %iota3A_112 = tpu.iota {dimensions = array<i32: 0>} : vector<256x1024xi32>
    %broadcast_in_dim3A_113 = vector.shape_cast %reduce_sum3A_111 : vector<1024xi32> to vector<1x1024xi32>
    %broadcast_in_dim3A_114 = vector.shape_cast %broadcast_in_dim3A_113 : vector<1x1024xi32> to vector<1x1024xi32>
    %broadcast_in_dim3A_115 = vector.broadcast %broadcast_in_dim3A_114 : vector<1x1024xi32> to vector<256x1024xi32>
    %eq3A_116 = arith.cmpi eq, %broadcast_in_dim3A_115, %iota3A_112 : vector<256x1024xi32>
    %convert_element_type3A_117 = arith.extui %eq3A_116 : vector<256x1024xi1> to vector<256x1024xi32>
    %convert_element_type3A_118 = arith.sitofp %convert_element_type3A_117 : vector<256x1024xi32> to vector<256x1024xf32>
    %convert_element_type3A_119 = arith.truncf %convert_element_type3A_118 : vector<256x1024xf32> to vector<256x1024xbf16>
    %iota3A_120 = tpu.iota {dimensions = array<i32: 1>} : vector<1x1024xi32>
    %shift_right_arithmetic3A_121 = arith.constant 8 : i32
    %shift_right_arithmetic3A_122 = vector.broadcast %shift_right_arithmetic3A_121 : i32 to vector<1x1024xi32>
    %shift_right_arithmetic3A_123 = arith.shrsi %iota3A_120, %shift_right_arithmetic3A_122 : vector<1x1024xi32>
    %convert_element_type3A_124 = arith.sitofp %shift_right_arithmetic3A_123 : vector<1x1024xi32> to vector<1x1024xf32>
    %and3A_125 = arith.constant 255 : i32
    %and3A_126 = vector.broadcast %and3A_125 : i32 to vector<1x1024xi32>
    %and3A_127 = arith.andi %iota3A_120, %and3A_126 : vector<1x1024xi32>
    %convert_element_type3A_128 = arith.sitofp %and3A_127 : vector<1x1024xi32> to vector<1x1024xf32>
    %convert_element_type3A_129 = arith.truncf %convert_element_type3A_128 : vector<1x1024xf32> to vector<1x1024xbf16>
    %dot_general3A_130 = arith.constant dense<0.000000e+00> : vector<1x256xf32>
    %dot_general3A_131 = tpu.matmul %convert_element_type3A_129, %convert_element_type3A_119, %dot_general3A_130 {dimension_numbers = #tpu.dot_dimension_numbers<[1], [1], [0], [0], [0, 0, 1, 0], [], []>, transpose_lhs_hint = false} : vector<1x1024xbf16>, vector<256x1024xbf16>, vector<1x256xf32> -> vector<1x256xf32>
    %convert_element_type3A_132 = arith.truncf %convert_element_type3A_124 : vector<1x1024xf32> to vector<1x1024xbf16>
    %dot_general3A_133 = arith.constant dense<0.000000e+00> : vector<1x256xf32>
    %dot_general3A_134 = tpu.matmul %convert_element_type3A_132, %convert_element_type3A_119, %dot_general3A_133 {dimension_numbers = #tpu.dot_dimension_numbers<[1], [1], [0], [0], [0, 0, 1, 0], [], []>, transpose_lhs_hint = false} : vector<1x1024xbf16>, vector<256x1024xbf16>, vector<1x256xf32> -> vector<1x256xf32>
    %mul3A_135 = arith.constant 4 : i32
    %mul3A_136 = arith.muli %arg0, %mul3A_135 : i32
    %add3A_137 = arith.constant 1 : i32
    %add3A_138 = arith.addi %mul3A_136, %add3A_137 : i32
    %mul3A_139 = arith.constant 2.560000e+02 : f32
    %mul3A_140 = vector.broadcast %mul3A_139 : f32 to vector<1x256xf32>
    %mul3A_141 = arith.mulf %dot_general3A_134, %mul3A_140 : vector<1x256xf32>
    %add3A_142 = arith.addf %dot_general3A_131, %mul3A_141 : vector<1x256xf32>
    %convert_element_type3A_143 = arith.sitofp %add3A_138 : i32 to f32
    %mul3A_144 = arith.constant 1.024000e+03 : f32
    %mul3A_145 = arith.mulf %mul3A_144, %convert_element_type3A_143 : f32
    %add3A_146 = vector.broadcast %mul3A_145 : f32 to vector<1x256xf32>
    %add3A_147 = arith.addf %add3A_142, %add3A_146 : vector<1x256xf32>
    %convert_element_type3A_148 = arith.fptosi %add3A_147 : vector<1x256xf32> to vector<1x256xi32>
    %reshape3A_149 = vector.shape_cast %convert_element_type3A_148 : vector<1x256xi32> to vector<2x128xi32>
    %swap3A_150 = arith.constant 1 : index
    %swap3A_151 = arith.constant 0 : index
    %swap3A_152 = arith.constant 0 : index
    %swap3A_153 = vector.load %arg3[%swap3A_150, %swap3A_151, %swap3A_152] : memref<4x2x128xi32, #tpu.memory_space<vmem>>, vector<1x2x128xi32>
    %swap3A_154 = vector.shape_cast %swap3A_153 : vector<1x2x128xi32> to vector<2x128xi32>
    %swap3A_155 = vector.shape_cast %reshape3A_149 : vector<2x128xi32> to vector<1x2x128xi32>
    tpu.vector_store %arg3[%swap3A_150, %swap3A_151, %swap3A_152], %swap3A_155 {strides = array<i32>} : memref<4x2x128xi32, #tpu.memory_space<vmem>>, vector<1x2x128xi32>,
    %get3A_156 = arith.constant 2048 : index
    %get3A_157 = arith.constant 0 : index
    %get3A_158 = vector.load %arg2[%get3A_156, %get3A_157] : memref<4096x128xf32, #tpu.memory_space<vmem>>, vector<1024x128xf32>
    %mul3A_159 = arith.mulf %get3A_158, %get3A_158 : vector<1024x128xf32>
    %transpose3A_160 = tpu.transpose %mul3A_159, [1, 0] : vector<1024x128xf32> -> vector<128x1024xf32>
    %reduce_sum3A_161 = arith.constant dense<0.000000e+00> : vector<1024xf32>
    %reduce_sum3A_162 = vector.multi_reduction <add>, %transpose3A_160, %reduce_sum3A_161 [0] : vector<128x1024xf32> to vector<1024xf32>
    %broadcast_in_dim3A_163 = vector.shape_cast %reduce_sum3A_162 : vector<1024xf32> to vector<1x1024xf32>
    %sqrt3A_164 = math.sqrt %broadcast_in_dim3A_163 : vector<1x1024xf32>
    %transpose3A_165 = tpu.transpose %sqrt3A_164, [1, 0] : vector<1x1024xf32> -> vector<1024x1xf32>
    %add3A_166 = arith.constant 9.99999993E-9 : f32
    %add3A_167 = vector.broadcast %add3A_166 : f32 to vector<1024x1xf32>
    %add3A_168 = arith.addf %transpose3A_165, %add3A_167 : vector<1024x1xf32>
    %div3A_169 = vector.broadcast %add3A_168 : vector<1024x1xf32> to vector<1024x128xf32>
    %div3A_170 = arith.divf %get3A_158, %div3A_169 : vector<1024x128xf32>
    %convert_element_type3A_171 = arith.truncf %div3A_170 : vector<1024x128xf32> to vector<1024x128xbf16>
    %dot_general3A_172 = arith.constant dense<0.000000e+00> : vector<1024x64xf32>
    %dot_general3A_173 = tpu.matmul %convert_element_type3A_171, %convert_element_type3A, %dot_general3A_172 {dimension_numbers = #tpu.dot_dimension_numbers<[1], [1], [0], [0], [0, 0, 1, 0], [], []>, transpose_lhs_hint = false} : vector<1024x128xbf16>, vector<64x128xbf16>, vector<1024x64xf32> -> vector<1024x64xf32>
    %reduce_max3A_174 = arith.constant dense<0xFF800000> : vector<1024xf32>
    %reduce_max3A_175 = vector.multi_reduction <maximumf>, %dot_general3A_173, %reduce_max3A_174 [1] : vector<1024x64xf32> to vector<1024xf32>
    %broadcast_in_dim3A_176 = vector.shape_cast %reduce_max3A_175 : vector<1024xf32> to vector<1024x1xf32>
    %broadcast_in_dim3A_177 = vector.shape_cast %broadcast_in_dim3A_176 : vector<1024x1xf32> to vector<1024x1xf32>
    %broadcast_in_dim3A_178 = vector.broadcast %broadcast_in_dim3A_177 : vector<1024x1xf32> to vector<1024x1024xf32>
    %broadcast_in_dim3A_179 = vector.shape_cast %reduce_max3A_175 : vector<1024xf32> to vector<1x1024xf32>
    %broadcast_in_dim3A_180 = vector.shape_cast %broadcast_in_dim3A_179 : vector<1x1024xf32> to vector<1x1024xf32>
    %broadcast_in_dim3A_181 = vector.broadcast %broadcast_in_dim3A_180 : vector<1x1024xf32> to vector<1024x1024xf32>
    %iota3A_182 = tpu.iota {dimensions = array<i32: 0>} : vector<1024x1024xi32>
    %iota3A_183 = tpu.iota {dimensions = array<i32: 1>} : vector<1024x1024xi32>
    %gt3A_184 = arith.cmpf ogt, %broadcast_in_dim3A_178, %broadcast_in_dim3A_181 : vector<1024x1024xf32>
    %eq3A_185 = arith.cmpf oeq, %broadcast_in_dim3A_178, %broadcast_in_dim3A_181 : vector<1024x1024xf32>
    %lt3A_186 = arith.cmpi slt, %iota3A_182, %iota3A_183 : vector<1024x1024xi32>
    %and3A_187 = arith.andi %eq3A_185, %lt3A_186 : vector<1024x1024xi1>
    %or3A_188 = arith.ori %gt3A_184, %and3A_187 : vector<1024x1024xi1>
    %convert_element_type3A_189 = arith.extui %or3A_188 : vector<1024x1024xi1> to vector<1024x1024xi32>
    %reduce_sum3A_190 = arith.constant dense<0> : vector<1024xi32>
    %reduce_sum3A_191 = vector.multi_reduction <add>, %convert_element_type3A_189, %reduce_sum3A_190 [0] : vector<1024x1024xi32> to vector<1024xi32>
    %iota3A_192 = tpu.iota {dimensions = array<i32: 0>} : vector<256x1024xi32>
    %broadcast_in_dim3A_193 = vector.shape_cast %reduce_sum3A_191 : vector<1024xi32> to vector<1x1024xi32>
    %broadcast_in_dim3A_194 = vector.shape_cast %broadcast_in_dim3A_193 : vector<1x1024xi32> to vector<1x1024xi32>
    %broadcast_in_dim3A_195 = vector.broadcast %broadcast_in_dim3A_194 : vector<1x1024xi32> to vector<256x1024xi32>
    %eq3A_196 = arith.cmpi eq, %broadcast_in_dim3A_195, %iota3A_192 : vector<256x1024xi32>
    %convert_element_type3A_197 = arith.extui %eq3A_196 : vector<256x1024xi1> to vector<256x1024xi32>
    %convert_element_type3A_198 = arith.sitofp %convert_element_type3A_197 : vector<256x1024xi32> to vector<256x1024xf32>
    %convert_element_type3A_199 = arith.truncf %convert_element_type3A_198 : vector<256x1024xf32> to vector<256x1024xbf16>
    %iota3A_200 = tpu.iota {dimensions = array<i32: 1>} : vector<1x1024xi32>
    %shift_right_arithmetic3A_201 = arith.constant 8 : i32
    %shift_right_arithmetic3A_202 = vector.broadcast %shift_right_arithmetic3A_201 : i32 to vector<1x1024xi32>
    %shift_right_arithmetic3A_203 = arith.shrsi %iota3A_200, %shift_right_arithmetic3A_202 : vector<1x1024xi32>
    %convert_element_type3A_204 = arith.sitofp %shift_right_arithmetic3A_203 : vector<1x1024xi32> to vector<1x1024xf32>
    %and3A_205 = arith.constant 255 : i32
    %and3A_206 = vector.broadcast %and3A_205 : i32 to vector<1x1024xi32>
    %and3A_207 = arith.andi %iota3A_200, %and3A_206 : vector<1x1024xi32>
    %convert_element_type3A_208 = arith.sitofp %and3A_207 : vector<1x1024xi32> to vector<1x1024xf32>
    %convert_element_type3A_209 = arith.truncf %convert_element_type3A_208 : vector<1x1024xf32> to vector<1x1024xbf16>
    %dot_general3A_210 = arith.constant dense<0.000000e+00> : vector<1x256xf32>
    %dot_general3A_211 = tpu.matmul %convert_element_type3A_209, %convert_element_type3A_199, %dot_general3A_210 {dimension_numbers = #tpu.dot_dimension_numbers<[1], [1], [0], [0], [0, 0, 1, 0], [], []>, transpose_lhs_hint = false} : vector<1x1024xbf16>, vector<256x1024xbf16>, vector<1x256xf32> -> vector<1x256xf32>
    %convert_element_type3A_212 = arith.truncf %convert_element_type3A_204 : vector<1x1024xf32> to vector<1x1024xbf16>
    %dot_general3A_213 = arith.constant dense<0.000000e+00> : vector<1x256xf32>
    %dot_general3A_214 = tpu.matmul %convert_element_type3A_212, %convert_element_type3A_199, %dot_general3A_213 {dimension_numbers = #tpu.dot_dimension_numbers<[1], [1], [0], [0], [0, 0, 1, 0], [], []>, transpose_lhs_hint = false} : vector<1x1024xbf16>, vector<256x1024xbf16>, vector<1x256xf32> -> vector<1x256xf32>
    %mul3A_215 = arith.constant 4 : i32
    %mul3A_216 = arith.muli %arg0, %mul3A_215 : i32
    %add3A_217 = arith.constant 2 : i32
    %add3A_218 = arith.addi %mul3A_216, %add3A_217 : i32
    %mul3A_219 = arith.constant 2.560000e+02 : f32
    %mul3A_220 = vector.broadcast %mul3A_219 : f32 to vector<1x256xf32>
    %mul3A_221 = arith.mulf %dot_general3A_214, %mul3A_220 : vector<1x256xf32>
    %add3A_222 = arith.addf %dot_general3A_211, %mul3A_221 : vector<1x256xf32>
    %convert_element_type3A_223 = arith.sitofp %add3A_218 : i32 to f32
    %mul3A_224 = arith.constant 1.024000e+03 : f32
    %mul3A_225 = arith.mulf %mul3A_224, %convert_element_type3A_223 : f32
    %add3A_226 = vector.broadcast %mul3A_225 : f32 to vector<1x256xf32>
    %add3A_227 = arith.addf %add3A_222, %add3A_226 : vector<1x256xf32>
    %convert_element_type3A_228 = arith.fptosi %add3A_227 : vector<1x256xf32> to vector<1x256xi32>
    %reshape3A_229 = vector.shape_cast %convert_element_type3A_228 : vector<1x256xi32> to vector<2x128xi32>
    %swap3A_230 = arith.constant 2 : index
    %swap3A_231 = arith.constant 0 : index
    %swap3A_232 = arith.constant 0 : index
    %swap3A_233 = vector.load %arg3[%swap3A_230, %swap3A_231, %swap3A_232] : memref<4x2x128xi32, #tpu.memory_space<vmem>>, vector<1x2x128xi32>
    %swap3A_234 = vector.shape_cast %swap3A_233 : vector<1x2x128xi32> to vector<2x128xi32>
    %swap3A_235 = vector.shape_cast %reshape3A_229 : vector<2x128xi32> to vector<1x2x128xi32>
    tpu.vector_store %arg3[%swap3A_230, %swap3A_231, %swap3A_232], %swap3A_235 {strides = array<i32>} : memref<4x2x128xi32, #tpu.memory_space<vmem>>, vector<1x2x128xi32>,
    %get3A_236 = arith.constant 3072 : index
    %get3A_237 = arith.constant 0 : index
    %get3A_238 = vector.load %arg2[%get3A_236, %get3A_237] : memref<4096x128xf32, #tpu.memory_space<vmem>>, vector<1024x128xf32>
    %mul3A_239 = arith.mulf %get3A_238, %get3A_238 : vector<1024x128xf32>
    %transpose3A_240 = tpu.transpose %mul3A_239, [1, 0] : vector<1024x128xf32> -> vector<128x1024xf32>
    %reduce_sum3A_241 = arith.constant dense<0.000000e+00> : vector<1024xf32>
    %reduce_sum3A_242 = vector.multi_reduction <add>, %transpose3A_240, %reduce_sum3A_241 [0] : vector<128x1024xf32> to vector<1024xf32>
    %broadcast_in_dim3A_243 = vector.shape_cast %reduce_sum3A_242 : vector<1024xf32> to vector<1x1024xf32>
    %sqrt3A_244 = math.sqrt %broadcast_in_dim3A_243 : vector<1x1024xf32>
    %transpose3A_245 = tpu.transpose %sqrt3A_244, [1, 0] : vector<1x1024xf32> -> vector<1024x1xf32>
    %add3A_246 = arith.constant 9.99999993E-9 : f32
    %add3A_247 = vector.broadcast %add3A_246 : f32 to vector<1024x1xf32>
    %add3A_248 = arith.addf %transpose3A_245, %add3A_247 : vector<1024x1xf32>
    %div3A_249 = vector.broadcast %add3A_248 : vector<1024x1xf32> to vector<1024x128xf32>
    %div3A_250 = arith.divf %get3A_238, %div3A_249 : vector<1024x128xf32>
    %convert_element_type3A_251 = arith.truncf %div3A_250 : vector<1024x128xf32> to vector<1024x128xbf16>
    %dot_general3A_252 = arith.constant dense<0.000000e+00> : vector<1024x64xf32>
    %dot_general3A_253 = tpu.matmul %convert_element_type3A_251, %convert_element_type3A, %dot_general3A_252 {dimension_numbers = #tpu.dot_dimension_numbers<[1], [1], [0], [0], [0, 0, 1, 0], [], []>, transpose_lhs_hint = false} : vector<1024x128xbf16>, vector<64x128xbf16>, vector<1024x64xf32> -> vector<1024x64xf32>
    %reduce_max3A_254 = arith.constant dense<0xFF800000> : vector<1024xf32>
    %reduce_max3A_255 = vector.multi_reduction <maximumf>, %dot_general3A_253, %reduce_max3A_254 [1] : vector<1024x64xf32> to vector<1024xf32>
    %broadcast_in_dim3A_256 = vector.shape_cast %reduce_max3A_255 : vector<1024xf32> to vector<1024x1xf32>
    %broadcast_in_dim3A_257 = vector.shape_cast %broadcast_in_dim3A_256 : vector<1024x1xf32> to vector<1024x1xf32>
    %broadcast_in_dim3A_258 = vector.broadcast %broadcast_in_dim3A_257 : vector<1024x1xf32> to vector<1024x1024xf32>
    %broadcast_in_dim3A_259 = vector.shape_cast %reduce_max3A_255 : vector<1024xf32> to vector<1x1024xf32>
    %broadcast_in_dim3A_260 = vector.shape_cast %broadcast_in_dim3A_259 : vector<1x1024xf32> to vector<1x1024xf32>
    %broadcast_in_dim3A_261 = vector.broadcast %broadcast_in_dim3A_260 : vector<1x1024xf32> to vector<1024x1024xf32>
    %iota3A_262 = tpu.iota {dimensions = array<i32: 0>} : vector<1024x1024xi32>
    %iota3A_263 = tpu.iota {dimensions = array<i32: 1>} : vector<1024x1024xi32>
    %gt3A_264 = arith.cmpf ogt, %broadcast_in_dim3A_258, %broadcast_in_dim3A_261 : vector<1024x1024xf32>
    %eq3A_265 = arith.cmpf oeq, %broadcast_in_dim3A_258, %broadcast_in_dim3A_261 : vector<1024x1024xf32>
    %lt3A_266 = arith.cmpi slt, %iota3A_262, %iota3A_263 : vector<1024x1024xi32>
    %and3A_267 = arith.andi %eq3A_265, %lt3A_266 : vector<1024x1024xi1>
    %or3A_268 = arith.ori %gt3A_264, %and3A_267 : vector<1024x1024xi1>
    %convert_element_type3A_269 = arith.extui %or3A_268 : vector<1024x1024xi1> to vector<1024x1024xi32>
    %reduce_sum3A_270 = arith.constant dense<0> : vector<1024xi32>
    %reduce_sum3A_271 = vector.multi_reduction <add>, %convert_element_type3A_269, %reduce_sum3A_270 [0] : vector<1024x1024xi32> to vector<1024xi32>
    %iota3A_272 = tpu.iota {dimensions = array<i32: 0>} : vector<256x1024xi32>
    %broadcast_in_dim3A_273 = vector.shape_cast %reduce_sum3A_271 : vector<1024xi32> to vector<1x1024xi32>
    %broadcast_in_dim3A_274 = vector.shape_cast %broadcast_in_dim3A_273 : vector<1x1024xi32> to vector<1x1024xi32>
    %broadcast_in_dim3A_275 = vector.broadcast %broadcast_in_dim3A_274 : vector<1x1024xi32> to vector<256x1024xi32>
    %eq3A_276 = arith.cmpi eq, %broadcast_in_dim3A_275, %iota3A_272 : vector<256x1024xi32>
    %convert_element_type3A_277 = arith.extui %eq3A_276 : vector<256x1024xi1> to vector<256x1024xi32>
    %convert_element_type3A_278 = arith.sitofp %convert_element_type3A_277 : vector<256x1024xi32> to vector<256x1024xf32>
    %convert_element_type3A_279 = arith.truncf %convert_element_type3A_278 : vector<256x1024xf32> to vector<256x1024xbf16>
    %iota3A_280 = tpu.iota {dimensions = array<i32: 1>} : vector<1x1024xi32>
    %shift_right_arithmetic3A_281 = arith.constant 8 : i32
    %shift_right_arithmetic3A_282 = vector.broadcast %shift_right_arithmetic3A_281 : i32 to vector<1x1024xi32>
    %shift_right_arithmetic3A_283 = arith.shrsi %iota3A_280, %shift_right_arithmetic3A_282 : vector<1x1024xi32>
    %convert_element_type3A_284 = arith.sitofp %shift_right_arithmetic3A_283 : vector<1x1024xi32> to vector<1x1024xf32>
    %and3A_285 = arith.constant 255 : i32
    %and3A_286 = vector.broadcast %and3A_285 : i32 to vector<1x1024xi32>
    %and3A_287 = arith.andi %iota3A_280, %and3A_286 : vector<1x1024xi32>
    %convert_element_type3A_288 = arith.sitofp %and3A_287 : vector<1x1024xi32> to vector<1x1024xf32>
    %convert_element_type3A_289 = arith.truncf %convert_element_type3A_288 : vector<1x1024xf32> to vector<1x1024xbf16>
    %dot_general3A_290 = arith.constant dense<0.000000e+00> : vector<1x256xf32>
    %dot_general3A_291 = tpu.matmul %convert_element_type3A_289, %convert_element_type3A_279, %dot_general3A_290 {dimension_numbers = #tpu.dot_dimension_numbers<[1], [1], [0], [0], [0, 0, 1, 0], [], []>, transpose_lhs_hint = false} : vector<1x1024xbf16>, vector<256x1024xbf16>, vector<1x256xf32> -> vector<1x256xf32>
    %convert_element_type3A_292 = arith.truncf %convert_element_type3A_284 : vector<1x1024xf32> to vector<1x1024xbf16>
    %dot_general3A_293 = arith.constant dense<0.000000e+00> : vector<1x256xf32>
    %dot_general3A_294 = tpu.matmul %convert_element_type3A_292, %convert_element_type3A_279, %dot_general3A_293 {dimension_numbers = #tpu.dot_dimension_numbers<[1], [1], [0], [0], [0, 0, 1, 0], [], []>, transpose_lhs_hint = false} : vector<1x1024xbf16>, vector<256x1024xbf16>, vector<1x256xf32> -> vector<1x256xf32>
    %mul3A_295 = arith.constant 4 : i32
    %mul3A_296 = arith.muli %arg0, %mul3A_295 : i32
    %add3A_297 = arith.constant 3 : i32
    %add3A_298 = arith.addi %mul3A_296, %add3A_297 : i32
    %mul3A_299 = arith.constant 2.560000e+02 : f32
    %mul3A_300 = vector.broadcast %mul3A_299 : f32 to vector<1x256xf32>
    %mul3A_301 = arith.mulf %dot_general3A_294, %mul3A_300 : vector<1x256xf32>
    %add3A_302 = arith.addf %dot_general3A_291, %mul3A_301 : vector<1x256xf32>
    %convert_element_type3A_303 = arith.sitofp %add3A_298 : i32 to f32
    %mul3A_304 = arith.constant 1.024000e+03 : f32
    %mul3A_305 = arith.mulf %mul3A_304, %convert_element_type3A_303 : f32
    %add3A_306 = vector.broadcast %mul3A_305 : f32 to vector<1x256xf32>
    %add3A_307 = arith.addf %add3A_302, %add3A_306 : vector<1x256xf32>
    %convert_element_type3A_308 = arith.fptosi %add3A_307 : vector<1x256xf32> to vector<1x256xi32>
    %reshape3A_309 = vector.shape_cast %convert_element_type3A_308 : vector<1x256xi32> to vector<2x128xi32>
    %swap3A_310 = arith.constant 3 : index
    %swap3A_311 = arith.constant 0 : index
    %swap3A_312 = arith.constant 0 : index
    %swap3A_313 = vector.load %arg3[%swap3A_310, %swap3A_311, %swap3A_312] : memref<4x2x128xi32, #tpu.memory_space<vmem>>, vector<1x2x128xi32>
    %swap3A_314 = vector.shape_cast %swap3A_313 : vector<1x2x128xi32> to vector<2x128xi32>
    %swap3A_315 = vector.shape_cast %reshape3A_309 : vector<2x128xi32> to vector<1x2x128xi32>
    tpu.vector_store %arg3[%swap3A_310, %swap3A_311, %swap3A_312], %swap3A_315 {strides = array<i32>} : memref<4x2x128xi32, #tpu.memory_space<vmem>>, vector<1x2x128xi32>,
    return
  }
  func.func @transform_0(%arg0: i32) -> (i32, i32) {
    %c0_i32 = arith.constant 0 : i32
    %c0_i32_0 = arith.constant 0 : i32
    %c0_i32_1 = arith.constant 0 : i32
    return %c0_i32, %c0_i32_0 : i32, i32
  }
  func.func @transform_1(%arg0: i32) -> (i32, i32) {
    %c0_i32 = arith.constant 0 : i32
    %c0_i32_0 = arith.constant 0 : i32
    return %arg0, %c0_i32 : i32, i32
  }
  func.func @transform_2(%arg0: i32) -> (i32, i32, i32) {
    %c0_i32 = arith.constant 0 : i32
    %c0_i32_0 = arith.constant 0 : i32
    %c0_i32_1 = arith.constant 0 : i32
    return %arg0, %c0_i32, %c0_i32_0 : i32, i32, i32
  }
}

</mosaic_0001>

<sc_bundles>
// kernel: kernel.4.cloned.1.call-start
scs
__scs_entry_jumppad:
0x0: {  	(pc) =	sbr.rel $0x88, $3  }
0x1: {  	(tag) =	ssettag $0x0;
	lr =	simm.s32 $0x1  }
0x2: {  	[smem:$0x3F9F] =	sst lr;
	_ =	strace $0xD0000000  }
0x3: {  	_ = 	snop  }
0x4: {  	_ = 	snop  }
0x5: {  	_ = 	snop  }
0x6: {  	_ = 	snop  }
0x7: {  	_ = 	snop  }
__scs_overlays_trampoline_lowered:
0x8: {  	[smem:$0x3FAE] =	sst s0  }
0x9: {  	[smem:$0x3FAF] =	sst s1  }
0xa: {  	[smem:$0x3FB0] =	sst s2  }
0xb: {  	[smem:$0x3FB1] =	sst s3  }
0xc: {  	[smem:$0x3FB2] =	sst s4  }
0xd: {  	[smem:$0x3FB3] =	sst s5  }
0xe: {  	[smem:$0x3FB4] =	sst s6  }
0xf: {  	[smem:$0x3FB5] =	sst s7  }
0x10: {  	[smem:$0x3FB6] =	sst s8  }
0x11: {  	[smem:$0x3FB7] =	sst s9;
	s0 =	simm.s32 @!p0 $0x0  }
0x12: {  	s1 =	sld [smem:$0x3F9D];
	s0 =	simm.s32 @p0 $0x1  }
0x13: {  	[smem:$0x3FB8] =	sst s0;
	s0 =	simm.s32 @!p1 $0x0  }
0x14: {  	s2 =	sld [smem:$0x3F9C];
	s0 =	simm.s32 @p1 $0x1  }
0x15: {  	[smem:$0x3FB9] =	sst s0;
	s0 =	simm.s32 @!p2 $0x0  }
0x16: {  	s3 =	sld [smem:$0x3FDB];
	s0 =	simm.s32 @p2 $0x1  }
0x17: {  	s4 =	simm.s32 $0x1BF5;
	[smem:$0x3FBB] =	sst s0  }
0x18: {  	s0 =	sld [smem:$0x3F9E];
	_ =	swait.ge [sflag:s4], $0x0  }
0x19: {  	s7 =	sld [smem:$0x3F9F]  }
0x1a: {  	s8 =	sadd.s32 $0xFFFFE003, lr  }
0x1b: {  	s9 =	sadd.s32 $0xFFFFFEF7, lr;
	s5 =	simm.s32 $0xFFFFFFFF;
	p2 =	slt.u32 s8, $0xFFFFF086  }
0x1c: {  	p1 =	slt.u32 s9, $0xF7A;
	s5 =	simm.s32 @!p2 $0x0  }
0x1d: {  	s5 =	simm.s32 @p1 $0x1;
	p0 =	seq.s32 s7, s2  }
0x1e: {  	s7 =	smul.u32 @!p0 $0xF7A, s2;
	p2 =	seq.s32 @!p0 s5, $0x0  }
0x1f: {  	s9 =	smul.u32 $0xF7A, s1;
	s8 =	simm.s32 @!p0 $0x1BF5;
	p2 =	por !p2, p0  }
0x20: {  	[sflag:s8] =	ssyncset.s32 @!p0 $0xFFFFF086;
	s6 =	sadd.s32 @!p0 s3, s7;
	s7 =	simm.s32 @!p0 $0x108  }
0x21: {  	s3 =	sadd.s32 s3, s9;
	s6 =	sadd.s32 @!p0 $0x88, s6;
	s7 =	simm.s32 @p2 $0x1082  }
0x22: {  	[simem:s7], [sflag:s8] =	dma.local @!p0 [hbm:s6], $0xF7A  }
0x23: {  	s9 =	sor.u32 $0xD0000000, s2;
	s6 =	simm.s32 $0x108;
	_ =	swait.ge @!p0 [sflag:s8], $0x0  }
0x24: {  	s3 =	sadd.s32 $0x88, s3;
	s6 =	simm.s32 @!p1 $0x1082;
	[sflag:s4] =	ssyncset.s32 $0xFFFFF086  }
0x25: {  	[simem:s6], [sflag:s4] =	dma.local [hbm:s3], $0xF7A  }
0x26: {  	[smem:$0x3F9F] =	sst s1;
	(tag) =	ssettag s2;
	_ =	strace s9  }
0x27: {  	s1 =	sld [smem:$0x3FAF]  }
0x28: {  	s2 =	sld [smem:$0x3FB0]  }
0x29: {  	s4 =	sld [smem:$0x3FB2]  }
0x2a: {  	p0 =	seq.s32 s5, $0x0;
	s5 =	sld [smem:$0x3FB3]  }
0x2b: {  	s6 =	sld [smem:$0x3FB4]  }
0x2c: {  	s7 =	sld [smem:$0x3FB5]  }
0x2d: {  	s3 =	simm.s32 $0x108;
	s8 =	sld [smem:$0x3FB6]  }
0x2e: {  	s3 =	simm.s32 @!p0 $0x1082;
	s9 =	sld [smem:$0x3FB7]  }
0x2f: {  	lr =	sadd.s32 s0, s3;
	s0 =	sld [smem:$0x3FAE]  }
0x30: {  	s3 =	sld [smem:$0x3FB1]  }
0x31: {  	[smem:$0x3FBA] =	sst s10  }
0x32: {  	s10 =	sld [smem:$0x3FB8];
	_ =	sdelay $0x3  }
0x33: {  	p0 =	seq.s32 s10, $0x1;
	s10 =	sld [smem:$0x3FBA];
	_ =	sdelay $0x3  }
0x34: {  	[smem:$0x3FBA] =	sst s10  }
0x35: {  	s10 =	sld [smem:$0x3FB9];
	_ =	sdelay $0x3  }
0x36: {  	p1 =	seq.s32 s10, $0x1;
	s10 =	sld [smem:$0x3FBA];
	_ =	sdelay $0x3  }
0x37: {  	[smem:$0x3FBA] =	sst s10  }
0x38: {  	s10 =	sld [smem:$0x3FBB]  }
0x39: {  	_ = 	snop;
	(pc) =	sbr.ind lr, $3  }
0x3a: {  	_ = 	snop  }
0x3b: {  	_ = 	snop  }
0x3c: {  	p2 =	seq.s32 s10, $0x1;
	s10 =	sld [smem:$0x3FBA]  }
0x3d: {  	_ =	shalt  }
0x3e: {  	_ =	shalt  }
0x3f: {  	_ =	shalt  }
0x40: {  	_ =	shalt  }
0x41: {  	_ =	shalt  }
0x42: {  	_ =	shalt  }
0x43: {  	_ =	shalt  }
0x44: {  	_ =	shalt  }
0x45: {  	_ =	shalt  }
0x46: {  	_ =	shalt  }
0x47: {  	_ =	shalt  }
0x48: {  	_ =	shalt  }
0x49: {  	_ =	shalt  }
0x4a: {  	_ =	shalt  }
0x4b: {  	_ =	shalt  }
0x4c: {  	_ =	shalt  }
0x4d: {  	_ =	shalt  }
0x4e: {  	_ =	shalt  }
0x4f: {  	_ =	shalt  }
0x50: {  	_ =	shalt  }
0x51: {  	_ =	shalt  }
0x52: {  	_ =	shalt  }
0x53: {  	_ =	shalt  }
0x54: {  	_ =	shalt  }
0x55: {  	_ =	shalt  }
0x56: {  	_ =	shalt  }
0x57: {  	_ =	shalt  }
0x58: {  	_ =	shalt  }
0x59: {  	_ =	shalt  }
0x5a: {  	_ =	shalt  }
0x5b: {  	_ =	shalt  }
0x5c: {  	_ =	shalt  }
0x5d: {  	_ =	shalt  }
0x5e: {  	_ =	shalt  }
0x5f: {  	_ =	shalt  }
0x60: {  	_ =	shalt  }
0x61: {  	_ =	shalt  }
0x62: {  	_ =	shalt  }
0x63: {  	_ =	shalt  }
0x64: {  	_ =	shalt  }
0x65: {  	_ =	shalt  }
0x66: {  	_ =	shalt  }
0x67: {  	_ =	shalt  }
0x68: {  	_ =	shalt  }
0x69: {  	_ =	shalt  }
0x6a: {  	_ =	shalt  }
0x6b: {  	_ =	shalt  }
0x6c: {  	_ =	shalt  }
0x6d: {  	_ =	shalt  }
0x6e: {  	_ =	shalt  }
0x6f: {  	_ =	shalt  }
0x70: {  	_ =	shalt  }
0x71: {  	_ =	shalt  }
0x72: {  	_ =	shalt  }
0x73: {  	_ =	shalt  }
0x74: {  	_ =	shalt  }
0x75: {  	_ =	shalt  }
0x76: {  	_ =	shalt  }
0x77: {  	_ =	shalt  }
0x78: {  	_ =	shalt  }
0x79: {  	_ =	shalt  }
0x7a: {  	_ =	shalt  }
0x7b: {  	_ =	shalt  }
0x7c: {  	_ =	shalt  }
0x7d: {  	_ =	shalt  }
0x7e: {  	_ =	shalt  }
0x7f: {  	_ =	shalt  }
0x80: {  	_ =	shalt  }
0x81: {  	_ =	shalt  }
0x82: {  	_ =	shalt  }
0x83: {  	_ =	shalt  }
0x84: {  	_ =	shalt  }
0x85: {  	_ =	shalt  }
0x86: {  	_ =	shalt  }
0x87: {  	_ =	shalt  }
.Lfunc_end0:
.L_simem_size_0:
called_computation_lowered:
.L_overlay_start_0:
0x88: {  	s2 =	sld [smem:$0x3FD9]  }
0x89: {  	s3 =	sld [smem:$0x3FFE];
	_ =	sdelay $0x1  }
0x8a: {  	s1 =	srdreg.scid  }
0x8b: {  	s0 =	sand.u32 $0x1, s1  }
0x8c: {  	s17 =	sshll.u32 s0, $0xA;
	s2 =	sadd.s32 s3, s2  }
0x8d: {  	s2 =	sadd.s32 s2, s17  }
0x8e: {  	[smem:$0x3FC6] =	sst s2  }
0x8f: {  	_ = 	snop  }
0x90: {  	s2 =	sld [smem:$0x3FC9]  }
0x91: {  	s18 =	sld [smem:$0x3FD0];
	(tm) =	ssettm $0x1  }
0x92: {  	s4 =	sld [smem:$0x3FFB];
	_ =	sdelay $0x3  }
0x93: {  	_ =	strace s4  }
0x94: {  	s4 =	sld [smem:$0x3FFC];
	_ =	sdelay $0x3  }
0x95: {  	_ =	strace s4  }
0x96: {  	s4 =	sld [smem:$0x3FFD];
	_ =	sdelay $0x3  }
0x97: {  	_ =	strace s4  }
0x98: {  	_ =	strace $0x8FFFFFFF  }
0x99: {  	s19 =	sld [smem:$0x3FDB];
	_ =	sdelay $0x1  }
0x9a: {  	s5 =	simm.s32 $_scs_section_size  }
0x9b: {  	s6 =	simm.s32 $_size__tile_overlayer_lowered;
	s7 =	simm.s32 $_tile_overlayer_lowered  }
0x9c: {  	s22 =	simm.s32 $0x1BFF;
	s21 =	sshll.u32 s7, $0x1;
	s4 =	sadd.s32 s5, s19  }
0x9d: {  	s8 =	simm.s32 $0x0;
	s20 =	sshll.u32 s6, $0x1;
	s6 =	sadd.s32 s21, s4  }
0x9e: {  	[timem:s8], [sflag:s22] =	dma.local [hbm:s6], s20  }
0x9f: {  	_ =	swait.ge [sflag:s22], s20  }
0xa0: {  	s5 =	ssub.s32 $0x0, s20;
	[sflag:s22] =	ssyncset.done $0x0  }
0xa1: {  	[sflag:s22] =	ssyncadd.s32 s5;
	_ =	sdelay $0x1  }
0xa2: {  	s23 =	simm.s32 $0x1B8B  }
0xa3: {  	_ =	swait.ge [sflag:s23], $0x1  }
0xa4: {  	[sflag:s23] =	ssyncset.done $0x0  }
0xa5: {  	s25 =	simm.s32 $0x1B8E;
	s24 =	sld [smem:$0x3FFE];
	[sflag:s23] =	ssyncadd.s32 $0xFFFFFFFF  }
0xa6: {  	s26 =	simm.s32 $execute0_lowered;
	[smem:$0x3FD2] =	sst s25  }
0xa7: {  	s6 =	sshll.u32 s26, $0x1;
	_ =	strace $0x80000046;
	[dreg:$0x1] =	wrdreg $0xFFFFFFFF  }
0xa8: {  	s28 =	simm.s32 $_size_execute0_lowered;
	s4 =	sadd.s32 s4, s6;
	[dreg:$0x0] =	wrdreg $0x0  }
0xa9: {  	s6 =	sshll.u32 s28, $0x1;
	[dreg:$0x2] =	wrdreg s4  }
0xaa: {  	[dreg:$0x3] =	wrdreg s6  }
0xab: {  	[dreg:$0x4] =	wrdreg $0xC0  }
0xac: {  	_ =	task [dreg:s8], $0x5FFFF  }
0xad: {  	[dreg:$0x1] =	wrdreg $0xFFFFFFFF  }
0xae: {  	[dreg:$0x0] =	wrdreg $0x60  }
0xaf: {  	[dreg:$0x2] =	wrdreg s2  }
0xb0: {  	[dreg:$0x3] =	wrdreg s24  }
0xb1: {  	[dreg:$0x4] =	wrdreg s18  }
0xb2: {  	[dreg:$0x5] =	wrdreg $0x9  }
0xb3: {  	_ =	task.clear_ibuf [dreg:s8], $0x6FFFF;
	_ =	strace $0x90000046  }
0xb4: {  	s29 =	simm.s32 $0x9;
	_ =	strace $0x80000048  }
0xb5: {  	_ =	swait.ge [sflag:s29], $0x1  }
0xb6: {  	[sflag:s29] =	ssyncadd.s32 $0xFFFFFFFF  }
0xb7: {  	_ =	strace $0x90000048  }
0xb8: {  	_ =	sfence  }
0xb9: {  	s30 =	sld [smem:$0x0];
	_ =	sdelay $0x2  }
0xba: {  	s31 =	sshll.u32 s1, $0xD;
	s1 =	sshrl.u32 s1, $0x2  }
0xbb: {  	s3 =	sand.u32 $0x4000, s31;
	s1 =	sadd.s32 s1, s30  }
0xbc: {  	s0 =	sor.u32 s3, s0;
	s1 =	sshll.u32 s1, $0x11  }
0xbd: {  	s0 =	sor.u32 s1, s0  }
0xbe: {  	s0 =	sadd.s32 $0x8F2B, s0  }
0xbf: {  	[sflag:s0] =	ssyncadd.remote.s32 $0x1  }
0xc0: {  	_ =	sfence.sel $0xFFFF  }
0xc1: {  	[dreg:$0x0] =	wrdreg $0xFFFFFFFF;
	(pc) =	sbr.abs _section_cstart, $3  }
0xc2: {  	[dreg:$0x1] =	wrdreg $0xFFFFFFFF  }
0xc3: {  	_ =	task.clear_ibuf [dreg:s8], $0x2FFFF;
	_ =	strace $0x9FFFFFFF  }
0xc4: {  	(tm) =	ssettm $0x7FFFFFFF  }
0xc5: {  	_ =	shalt  }
tec
execute0_lowered:
.L_overlay_start_1:
0x0: {  	(tag) =	ssettag $0x1  }
0x1: {  	s1 =	rddreg [dreg:$0x0]  }
0x2: {  	s2 =	srdreg.scid;
	s0 =	stileid.u32  }
0x3: {  	s4 =	rddreg [dreg:$0x1];
	s14 =	sand.u32 $0x1, s2;
	s29 =	sshll.u32 s0, $0x1  }
0x4: {  	s15 =	rddreg [dreg:$0x2];
	s16 =	sor.u32 s14, s29  }
0x5: {  	s3 =	simm.s32 $0x0;
	s2 =	rddreg [dreg:$0x3];
	s5 =	sshll.u32 s16, $0x6  }
0x6: {  	[smem:$0x7FF] =	sst s3;
	s4 =	sadd.s32 s5, s4  }
0x7: {  	_ =	strace $0x80000047;
	s5 =	sadd.s32 $0x800, s4;
	s4 =	simm.s32 $0x2  }
0x8: {  	[tilespmem:s3], [sflag:$0x2] =	stream.linear.gather [hbm4b:s5+s3], $0x200, $0x38;
	[tilespmem:$0x10200] =	vst v63  }
0x9: {  	_ =	swait.ge [sflag:s4], $0x200  }
0xa: {  	[sflag:s4] =	ssyncset.done $0x0  }
0xb: {  	s6 =	simm.s32 $0x80;
	s7 =	simm.s32 $0x200;
	[sflag:s4] =	ssyncadd.s32 $0xFFFFFE00  }
0xc: {  	[tilespmem:s7], [sflag:$0x1] =	stream.indirect.gather [hbm4b:s1+s6], $0x80, s3, s6, $0xb8;
	[tilespmem:$0x10200] =	vst v63  }
0xd: {  	s8 =	simm.s32 $0x4200  }
0xe: {  	[tilespmem:s8], [sflag:$0x1] =	stream.indirect.gather [hbm4b:s1+s6], $0x80, s6, s6, $0xb8;
	[tilespmem:$0x10200] =	vst v63  }
0xf: {  	s9 =	simm.s32 $0x100;
	s10 =	simm.s32 $0x8200  }
0x10: {  	[tilespmem:s10], [sflag:$0x1] =	stream.indirect.gather [hbm4b:s1+s6], $0x80, s9, s6, $0xb8;
	[tilespmem:$0x10200] =	vst v63  }
0x11: {  	s11 =	simm.s32 $0x180;
	s12 =	simm.s32 $0xC200;
	s13 =	simm.s32 $0x1  }
0x12: {  	[tilespmem:s12], [sflag:$0x1] =	stream.indirect.gather [hbm4b:s1+s6], $0x80, s11, s6, $0xb8;
	[tilespmem:$0x10200] =	vst v63  }
0x13: {  	_ =	swait.ge [sflag:s13], $0x4000  }
0x14: {  	[sflag:s13] =	ssyncset.done $0x0  }
0x15: {  	[sflag:s13] =	ssyncadd.s32 $0xFFFFC000  }
0x16: {  	_ =	swait.ge [sflag:s13], $0x4000  }
0x17: {  	[sflag:s13] =	ssyncset.done $0x0  }
0x18: {  	s14 =	ssub.s32 $0x2, s14;
	[sflag:s13] =	ssyncadd.s32 $0xFFFFC000  }
0x19: {  	s17 =	sshrl.u32 s14, $0x1;
	_ =	swait.ge [sflag:s13], $0x4000  }
0x1a: {  	s17 =	ssub.s32 s14, s17;
	[sflag:s13] =	ssyncset.done $0x0  }
0x1b: {  	s31 =	smax.u32 s17, $0x1;
	[sflag:s13] =	ssyncadd.s32 $0xFFFFC000  }
0x1c: {  	p0 =	sne.s32 s31, $0x1;
	_ =	swait.ge [sflag:s13], $0x4000  }
.Ltmp0:
0x1d: {  	s30 =	sshll.u32 s16, $0xD;
	[sflag:s13] =	ssyncset.done $0x0;
	(pc) =	sbr.rel @!p0 .LBB2_2-.Ltmp0, $4  }
0x1e: {  	s14 =	sadd.s32 s15, s30;
	[sflag:s13] =	ssyncadd.s32 $0xFFFFC000  }
0x1f: {  	[hbm4b:s14+s3] =	stream.linear.scatter [tilespmem:s7], [sflag:$0x2], $0x10000, $0x38;
	[tilespmem:$0x10200] =	vst v63  }
0x20: {  	_ =	swait.ge [sflag:s4], $0x10000  }
0x21: {  	s15 =	sadd.s32 $0xFFFFFFFF, s31;
	[sflag:s4] =	ssyncset.done $0x0  }
.LBB2_1:
0x22: {  	p0 =	sne.s32 s15, $0x1;
	s15 =	sadd.s32 $0xFFFFFFFF, s15;
	[sflag:s4] =	ssyncadd.s32 $0xFFFF0000  }
0x23: {  	[tilespmem:s3], [sflag:$0x2] =	stream.linear.gather [hbm4b:s5+s3], $0x200, $0x38;
	[tilespmem:$0x10200] =	vst v63  }
0x24: {  	_ =	swait.ge [sflag:s4], $0x200  }
0x25: {  	[sflag:s4] =	ssyncset.done $0x0  }
0x26: {  	[sflag:s4] =	ssyncadd.s32 $0xFFFFFE00  }
0x27: {  	[tilespmem:s7], [sflag:$0x1] =	stream.indirect.gather [hbm4b:s1+s6], $0x80, s3, s6, $0xb8;
	[tilespmem:$0x10200] =	vst v63  }
0x28: {  	_ = 	snop  }
0x29: {  	[tilespmem:s8], [sflag:$0x1] =	stream.indirect.gather [hbm4b:s1+s6], $0x80, s6, s6, $0xb8;
	[tilespmem:$0x10200] =	vst v63  }
0x2a: {  	_ = 	snop  }
0x2b: {  	[tilespmem:s10], [sflag:$0x1] =	stream.indirect.gather [hbm4b:s1+s6], $0x80, s9, s6, $0xb8;
	[tilespmem:$0x10200] =	vst v63  }
0x2c: {  	_ = 	snop  }
0x2d: {  	[tilespmem:s12], [sflag:$0x1] =	stream.indirect.gather [hbm4b:s1+s6], $0x80, s11, s6, $0xb8;
	[tilespmem:$0x10200] =	vst v63  }
0x2e: {  	_ =	swait.ge [sflag:s13], $0x4000  }
0x2f: {  	[sflag:s13] =	ssyncset.done $0x0  }
0x30: {  	[sflag:s13] =	ssyncadd.s32 $0xFFFFC000  }
0x31: {  	_ =	swait.ge [sflag:s13], $0x4000  }
0x32: {  	[sflag:s13] =	ssyncset.done $0x0  }
0x33: {  	[sflag:s13] =	ssyncadd.s32 $0xFFFFC000  }
0x34: {  	_ =	swait.ge [sflag:s13], $0x4000  }
0x35: {  	[sflag:s13] =	ssyncset.done $0x0  }
0x36: {  	[sflag:s13] =	ssyncadd.s32 $0xFFFFC000  }
0x37: {  	_ =	swait.ge [sflag:s13], $0x4000  }
.Ltmp1:
0x38: {  	[sflag:s13] =	ssyncset.done $0x0;
	(pc) =	sbr.rel @p0 .LBB2_1-.Ltmp1, $4  }
0x39: {  	[sflag:s13] =	ssyncadd.s32 $0xFFFFC000  }
0x3a: {  	[hbm4b:s14+s3] =	stream.linear.scatter [tilespmem:s7], [sflag:$0x2], $0x10000, $0x38;
	[tilespmem:$0x10200] =	vst v63  }
0x3b: {  	_ =	swait.ge [sflag:s4], $0x10000  }
0x3c: {  	[sflag:s4] =	ssyncset.done $0x0  }
.LBB2_2:
0x3d: {  	[sflag:s4] =	ssyncadd.s32 $0xFFFF0000  }
0x3e: {  	_ =	sfence.sel $0x180000  }
0x3f: {  	[bflag:$0x0] =	sbarrier.arrive $0xFFFF  }
0x40: {  	p0 =	sne.s32 s0, $0x0;
	_ =	strace $0x90000047  }
0x41: {  	s0 =	sadd.s32 @!p0 $0x100000, s2;
	[bflag:$0x2] =	sbarrier.arrive $0xFFFF  }
0x42: {  	[sflag:s0] =	ssyncadd.tile.s32 @!p0 $0x1;
	_ =	shalt  }
.Lfunc_end2:
_tile_overlayer_lowered:
.L_overlay_start_2:
0x43: {  	(tag) =	ssettag $0x2  }
0x44: {  	s0 =	rddreg [dreg:$0x0];
	s2 =	stileid.u32  }
0x45: {  	s1 =	rddreg [dreg:$0x1];
	p0 =	sne.s32 s2, $0x0  }
0x46: {  	s3 =	rddreg [dreg:$0x2];
	[bflag:$0x3] =	sbarrier.arrive $0xFFFF;
	s2 =	simm.s32 @!p0 $0x1C02  }
0x47: {  	[timem:s3], [sflag:s2] =	dma.local @!p0 [hbm:s0], s1  }
0x48: {  	s0 =	simm.s32 @!p0 $0x2  }
0x49: {  	_ =	swait.ge @!p0 [sflag:s0], s1  }
0x4a: {  	s1 =	ssub.s32 @!p0 $0x0, s1;
	[sflag:s0] =	ssyncset.done @!p0 $0x0  }
0x4b: {  	[sflag:s0] =	ssyncadd.s32 @!p0 s1  }
0x4c: {  	[bflag:$0x3] =	sbarrier.arrive $0xFFFF  }
0x4d: {  	_ =	shalt  }

</sc_bundles>
